<compile_context>
chip_gen: v7x
topology: tpu7x:2x2x1
jax: 0.10.2.dev20260603
libtpu: 0.0.44.dev20260713+nightly
codegen_flags: <defaults>
</compile_context>

<pallas_src>
import jax
import jax.numpy as jnp
from jax import lax
from jax.experimental import pallas as pl
from jax.experimental.pallas import tpu as pltpu
from jax.experimental.pallas import tpu_sc as plsc

NUM_EMBEDDINGS = 1000000
EMBED_DIM = 32
BATCH = 4096
SEQ = 200
TOTAL = BATCH * SEQ

NC = 2
NS = 16
NW = NC * NS
LANES = 16

UNIT = 128
N_UNITS = TOTAL // UNIT
U_PER_W = N_UNITS // NW
N_BLOCKS = N_UNITS // 8
B_PER_W = N_BLOCKS // NW
CBLK = EMBED_DIM // 8
BBLK = BATCH // UNIT
RING = 6
OUTB = 4


def _body(table_hbm, idx_hbm, out_hbm, idx_v, rows_v, t_v, gsem, osem):
  wid = lax.axis_index("s") * NC + lax.axis_index("c")
  blk0 = wid * B_PER_W

  pltpu.sync_copy(idx_hbm.at[pl.ds(blk0, B_PER_W)], idx_v)

  lane = lax.iota(jnp.int32, LANES)
  def idx_row(k):
    return idx_v.at[k // 8, k % 8]

  def fire_gather(k, r):
    pltpu.async_copy(table_hbm.at[idx_row(k)], rows_v.at[r], gsem.at[r])

  def drain(sem_ref, vmem_ref, hbm_like):
    pltpu.make_async_copy(hbm_like, vmem_ref, sem_ref).wait()

  for r in range(RING - 1):
    fire_gather(r, r)

  @pl.loop(0, U_PER_W)
  def _ring(k):
    r = k % RING
    p = k % OUTB
    b_id = blk0 + k // 8
    s = (b_id // BBLK) * 8 + k % 8
    bt = b_id % BBLK

    @pl.when(k + RING - 1 < U_PER_W)
    def _fire_next():
      fire_gather(k + RING - 1, (k + RING - 1) % RING)

    drain(gsem.at[r], rows_v.at[r], table_hbm.at[pl.ds(0, UNIT)])

    @pl.when(k >= OUTB)
    def _drain_prev_out():
      drain(osem.at[p], t_v.at[p], out_hbm.at[0, :, 0])

    @pl.loop(0, UNIT // LANES)
    def _g(g):
      vidx = idx_row(k)[pl.ds(g * LANES, LANES)]
      keep = vidx != 0
      row_ids = lane + g * LANES
      rot = lane
      for d in range(LANES):
        for h in range(2):
          cols = rot + h * LANES
          v = plsc.load_gather(rows_v.at[r], [row_ids, cols])
          v = jnp.where(keep, v, 0.0)
          plsc.store_scatter(t_v.at[p], [cols // 8, cols % 8, row_ids], v)
        rot = (rot + 1) % LANES

    pltpu.async_copy(t_v.at[p], out_hbm.at[s, :, bt], osem.at[p])

  for p in range(OUTB):
    drain(osem.at[p], t_v.at[p], out_hbm.at[0, :, 0])


N_TC = 7813
PAD_ROWS = N_TC * UNIT


def _retile_body(wt_hbm, tail_hbm, out_hbm, in_v, st_v, isem, osem):
  wid = lax.axis_index("s") * NC + lax.axis_index("c")
  lane = lax.iota(jnp.int32, LANES)
  n_my = N_TC // NW + 1

  def drain(sem_ref, vmem_ref, hbm_like):
    pltpu.make_async_copy(hbm_like, vmem_ref, sem_ref).wait()

  def fire_in(tc, b):
    pltpu.async_copy(wt_hbm.at[:, pl.ds(tc * UNIT, UNIT)], in_v.at[b],
                     isem.at[b])

  for t0 in range(3):
    fire_in(wid + t0 * NW, t0)

  @pl.loop(0, n_my)
  def _unit(t):
    tc = wid + t * NW

    @pl.when(tc < N_TC)
    def _do():
      b = t % 4

      @pl.when(tc + 3 * NW < N_TC - 1)
      def _fire_next():
        fire_in(tc + 3 * NW, (t + 3) % 4)

      @pl.when(tc < N_TC - 1)
      def _drain_in():
        drain(isem.at[b], in_v.at[b], out_hbm.at[pl.ds(0, EMBED_DIM)])

      @pl.when(tc == N_TC - 1)
      def _partial_in():
        pltpu.sync_copy(tail_hbm, in_v.at[b])

      @pl.when(t >= 4)
      def _drain_prev_out():
        drain(osem.at[b], st_v.at[b], out_hbm.at[pl.ds(0, EMBED_DIM)])

      @pl.loop(0, 16)
      def _blk(q):
        lb = q // 2
        ch = q % 2
        j_ids = lane + lb * LANES
        jd4 = j_ids // 4
        jm4 = (j_ids % 4) * EMBED_DIM
        rot = lane + ch * LANES
        for d in range(LANES):
          v = plsc.load_gather(in_v.at[b], [rot, j_ids])
          plsc.store_scatter(st_v.at[b], [jd4, jm4 + rot], v)
          rot = ((rot + 1) % LANES) + ch * LANES

      pltpu.async_copy(st_v.at[b],
                       out_hbm.at[pl.ds(tc * EMBED_DIM, EMBED_DIM)],
                       osem.at[b])

  for b in range(4):
    drain(osem.at[b], st_v.at[b], out_hbm.at[pl.ds(0, EMBED_DIM)])


@jax.jit
def _retile(wt, wt_tail):
  mesh = plsc.VectorSubcoreMesh(core_axis_name="c", subcore_axis_name="s")
  f = pl.kernel(
      _retile_body,
      out_type=jax.ShapeDtypeStruct((N_TC * EMBED_DIM, UNIT), jnp.float32),
      mesh=mesh,
      scratch_types=[
          pltpu.VMEM((4, EMBED_DIM, UNIT), jnp.float32),
          pltpu.VMEM((4, EMBED_DIM, UNIT), jnp.float32),
          pltpu.SemaphoreType.DMA((4,)),
          pltpu.SemaphoreType.DMA((4,)),
      ],
      compiler_params=pltpu.CompilerParams(
          needs_layout_passes=False, use_tc_tiling_on_sc=True),
  )
  return f(wt, wt_tail)


@jax.jit
def _lookup(idx3d, weight):
  mesh = plsc.VectorSubcoreMesh(core_axis_name="c", subcore_axis_name="s")
  f = pl.kernel(
      _body,
      out_type=jax.ShapeDtypeStruct((SEQ, CBLK, BBLK, 8, UNIT), jnp.float32),
      mesh=mesh,
      scratch_types=[
          pltpu.VMEM((B_PER_W, 8, UNIT), jnp.int32),
          pltpu.VMEM((RING, UNIT, EMBED_DIM), jnp.float32),
          pltpu.VMEM((OUTB, CBLK, 8, UNIT), jnp.float32),
          pltpu.SemaphoreType.DMA((RING,)),
          pltpu.SemaphoreType.DMA((OUTB,)),
      ],
      compiler_params=pltpu.CompilerParams(
          needs_layout_passes=False, use_tc_tiling_on_sc=False),
  )
  return f(weight, idx3d)


def kernel(input_batch, weight):
  wt_tail = jnp.concatenate(
      [weight[NUM_EMBEDDINGS - UNIT // 2:],
       jnp.zeros((UNIT // 2, EMBED_DIM), jnp.float32)]).T
  table = _retile(weight.T, wt_tail).reshape(PAD_ROWS, EMBED_DIM)
  idx3d = (input_batch.T.reshape(SEQ // 8, 8, BBLK, UNIT)
           .transpose(0, 2, 1, 3).reshape(N_BLOCKS, 8, UNIT))
  out5 = _lookup(idx3d, table)
  return out5.transpose(2, 4, 0, 1, 3).reshape(BATCH, SEQ, EMBED_DIM)

# --- scband reference (transcript-rebuilt; emitter-appended) ---
"""Pipeline reference for scband-lookup-network-48670569398552 (READ-ONLY COPY).

The authoritative reference and input builder live on the scoring server;
editing this copy changes nothing except your own understanding.
"""

import jax, jax.numpy as jnp
import numpy as np

NUM_EMBEDDINGS = 1000000
EMBED_DIM = 32
PADDING_IDX = 0
BATCH = 4096
SEQ = 200


def setup_inputs(seed: int = 0) -> dict:
    key = jax.random.key(seed)
    k_idx, k_w = jax.random.split(key)
    input_batch = jax.random.randint(k_idx, (BATCH, SEQ), 0, NUM_EMBEDDINGS, dtype=jnp.int32)
    weight = jax.random.normal(k_w, (NUM_EMBEDDINGS, EMBED_DIM), dtype=jnp.float32)
    return {"input_batch": input_batch, "weight": weight}


def reference(input_batch, weight):
    # Embedding gather (equivalent to per-element self.model(idx) lookup)
    gathered = jnp.take(weight, input_batch, axis=0)  # [B, S, D]
    # Entries equal to padding_idx are replaced with zero vectors, exactly as in the
    # original forward loop (idx == padding_idx -> zeros(embedding_dim)).
    mask = (input_batch == PADDING_IDX)[..., None]
    out = jnp.where(mask, jnp.zeros((), dtype=gathered.dtype), gathered)
    return out

if __name__ == "__main__":
    import jax
    _d = setup_inputs()
    print(jax.jit(kernel)(*tuple(_d.values())))

</pallas_src>

<mosaic_0001>
#map = affine_map<(d0, d1) -> (0, 0)>
module attributes {stable_mosaic.version = 14 : i64} {
  func.func @_retile_body(%arg0: i32, %arg1: i32, %arg2: memref<32x1000000xf32, #tpu.memory_space<hbm>>, %arg3: memref<32x128xf32, #tpu.memory_space<hbm>>, %arg4: memref<250016x128xf32, #tpu.memory_space<hbm>>, %arg5: memref<4x32x128xf32, #tpu.memory_space<vmem>>, %arg6: memref<4x32x128xf32, #tpu.memory_space<vmem>>, %arg7: memref<4x!tpu.dma_semaphore, #tpu.memory_space<semaphore_mem>>, %arg8: memref<4x!tpu.dma_semaphore, #tpu.memory_space<semaphore_mem>>) attributes {dimension_semantics = [#tpu.dimension_semantics<core_parallel>, #tpu.dimension_semantics<subcore_parallel>], iteration_bounds = array<i64: 2, 16>, scalar_prefetch = 0 : i64, scratch_operands = 4 : i64, tpu.core_type = #tpu.core_type<sc_vector_subcore>, window_params = [{transform_indices = #map}, {transform_indices = #map}, {transform_indices = #map}]} {
    %mul3A = arith.constant 2 : i32
    %mul3A_0 = arith.muli %arg1, %mul3A : i32
    %add3A = arith.addi %mul3A_0, %arg0 : i32
    %iota3A = tpu.iota {dimensions = array<i32: 0>} : vector<16xi32>
    %add3A_1 = arith.constant 0 : i32
    %add3A_2 = arith.addi %add3A, %add3A_1 : i32
    %mul3A_3 = arith.constant 128 : i32
    %mul3A_4 = arith.muli %add3A_2, %mul3A_3 : i32
    %dma_start3A = arith.constant 0 : i32
    %dma_start3A_5 = arith.constant 0 : i32
    %dma_start3A_6 = arith.constant 0 : i32
    %dma_start3A_7 = arith.constant 0 : i32
    %dma_start3A_8 = tpu.memref_slice %arg5[%dma_start3A, %dma_start3A_6, %dma_start3A_7] : memref<4x32x128xf32, #tpu.memory_space<vmem>> -> memref<1x32x128xf32, #tpu.memory_space<vmem>>
    %dma_start3A_9 = tpu.memref_squeeze %dma_start3A_8 : memref<1x32x128xf32, #tpu.memory_space<vmem>> -> memref<32x128xf32, #tpu.memory_space<vmem>>
    %dma_start3A_10 = arith.constant 0 : i32
    %dma_start3A_11 = tpu.memref_slice %arg2[%dma_start3A_10, %mul3A_4] : memref<32x1000000xf32, #tpu.memory_space<hbm>> -> memref<32x128xf32, #tpu.memory_space<hbm>>
    %dma_start3A_12 = tpu.memref_slice %arg7[%dma_start3A_5] : memref<4x!tpu.dma_semaphore, #tpu.memory_space<semaphore_mem>> -> memref<1x!tpu.dma_semaphore, #tpu.memory_space<semaphore_mem>>
    %dma_start3A_13 = tpu.memref_squeeze %dma_start3A_12 : memref<1x!tpu.dma_semaphore, #tpu.memory_space<semaphore_mem>> -> memref<!tpu.dma_semaphore, #tpu.memory_space<semaphore_mem>>
    %dma_start3A_14 = arith.constant 0 : i32
    %dma_start3A_15 = arith.constant 0 : i32
    %dma_start3A_16 = tpu.memref_slice %arg5[%dma_start3A, %dma_start3A_14, %dma_start3A_15] : memref<4x32x128xf32, #tpu.memory_space<vmem>> -> memref<1x32x128xf32, #tpu.memory_space<vmem>>
    %dma_start3A_17 = tpu.memref_squeeze %dma_start3A_16 : memref<1x32x128xf32, #tpu.memory_space<vmem>> -> memref<32x128xf32, #tpu.memory_space<vmem>>
    %dma_start3A_18 = arith.constant 0 : i32
    %dma_start3A_19 = tpu.memref_slice %arg2[%dma_start3A_18, %mul3A_4] : memref<32x1000000xf32, #tpu.memory_space<hbm>> -> memref<32x128xf32, #tpu.memory_space<hbm>>
    tpu.enqueue_dma source(%dma_start3A_19 : memref<32x128xf32, #tpu.memory_space<hbm>>) target(%dma_start3A_17 : memref<32x128xf32, #tpu.memory_space<vmem>>) target_semaphore(%dma_start3A_13 : memref<!tpu.dma_semaphore, #tpu.memory_space<semaphore_mem>>)
    %add3A_20 = arith.constant 32 : i32
    %add3A_21 = arith.addi %add3A, %add3A_20 : i32
    %mul3A_22 = arith.constant 128 : i32
    %mul3A_23 = arith.muli %add3A_21, %mul3A_22 : i32
    %dma_start3A_24 = arith.constant 1 : i32
    %dma_start3A_25 = arith.constant 1 : i32
    %dma_start3A_26 = arith.constant 0 : i32
    %dma_start3A_27 = arith.constant 0 : i32
    %dma_start3A_28 = tpu.memref_slice %arg5[%dma_start3A_24, %dma_start3A_26, %dma_start3A_27] : memref<4x32x128xf32, #tpu.memory_space<vmem>> -> memref<1x32x128xf32, #tpu.memory_space<vmem>>
    %dma_start3A_29 = tpu.memref_squeeze %dma_start3A_28 : memref<1x32x128xf32, #tpu.memory_space<vmem>> -> memref<32x128xf32, #tpu.memory_space<vmem>>
    %dma_start3A_30 = arith.constant 0 : i32
    %dma_start3A_31 = tpu.memref_slice %arg2[%dma_start3A_30, %mul3A_23] : memref<32x1000000xf32, #tpu.memory_space<hbm>> -> memref<32x128xf32, #tpu.memory_space<hbm>>
    %dma_start3A_32 = tpu.memref_slice %arg7[%dma_start3A_25] : memref<4x!tpu.dma_semaphore, #tpu.memory_space<semaphore_mem>> -> memref<1x!tpu.dma_semaphore, #tpu.memory_space<semaphore_mem>>
    %dma_start3A_33 = tpu.memref_squeeze %dma_start3A_32 : memref<1x!tpu.dma_semaphore, #tpu.memory_space<semaphore_mem>> -> memref<!tpu.dma_semaphore, #tpu.memory_space<semaphore_mem>>
    %dma_start3A_34 = arith.constant 0 : i32
    %dma_start3A_35 = arith.constant 0 : i32
    %dma_start3A_36 = tpu.memref_slice %arg5[%dma_start3A_24, %dma_start3A_34, %dma_start3A_35] : memref<4x32x128xf32, #tpu.memory_space<vmem>> -> memref<1x32x128xf32, #tpu.memory_space<vmem>>
    %dma_start3A_37 = tpu.memref_squeeze %dma_start3A_36 : memref<1x32x128xf32, #tpu.memory_space<vmem>> -> memref<32x128xf32, #tpu.memory_space<vmem>>
    %dma_start3A_38 = arith.constant 0 : i32
    %dma_start3A_39 = tpu.memref_slice %arg2[%dma_start3A_38, %mul3A_23] : memref<32x1000000xf32, #tpu.memory_space<hbm>> -> memref<32x128xf32, #tpu.memory_space<hbm>>
    tpu.enqueue_dma source(%dma_start3A_39 : memref<32x128xf32, #tpu.memory_space<hbm>>) target(%dma_start3A_37 : memref<32x128xf32, #tpu.memory_space<vmem>>) target_semaphore(%dma_start3A_33 : memref<!tpu.dma_semaphore, #tpu.memory_space<semaphore_mem>>)
    %add3A_40 = arith.constant 64 : i32
    %add3A_41 = arith.addi %add3A, %add3A_40 : i32
    %mul3A_42 = arith.constant 128 : i32
    %mul3A_43 = arith.muli %add3A_41, %mul3A_42 : i32
    %dma_start3A_44 = arith.constant 2 : i32
    %dma_start3A_45 = arith.constant 2 : i32
    %dma_start3A_46 = arith.constant 0 : i32
    %dma_start3A_47 = arith.constant 0 : i32
    %dma_start3A_48 = tpu.memref_slice %arg5[%dma_start3A_44, %dma_start3A_46, %dma_start3A_47] : memref<4x32x128xf32, #tpu.memory_space<vmem>> -> memref<1x32x128xf32, #tpu.memory_space<vmem>>
    %dma_start3A_49 = tpu.memref_squeeze %dma_start3A_48 : memref<1x32x128xf32, #tpu.memory_space<vmem>> -> memref<32x128xf32, #tpu.memory_space<vmem>>
    %dma_start3A_50 = arith.constant 0 : i32
    %dma_start3A_51 = tpu.memref_slice %arg2[%dma_start3A_50, %mul3A_43] : memref<32x1000000xf32, #tpu.memory_space<hbm>> -> memref<32x128xf32, #tpu.memory_space<hbm>>
    %dma_start3A_52 = tpu.memref_slice %arg7[%dma_start3A_45] : memref<4x!tpu.dma_semaphore, #tpu.memory_space<semaphore_mem>> -> memref<1x!tpu.dma_semaphore, #tpu.memory_space<semaphore_mem>>
    %dma_start3A_53 = tpu.memref_squeeze %dma_start3A_52 : memref<1x!tpu.dma_semaphore, #tpu.memory_space<semaphore_mem>> -> memref<!tpu.dma_semaphore, #tpu.memory_space<semaphore_mem>>
    %dma_start3A_54 = arith.constant 0 : i32
    %dma_start3A_55 = arith.constant 0 : i32
    %dma_start3A_56 = tpu.memref_slice %arg5[%dma_start3A_44, %dma_start3A_54, %dma_start3A_55] : memref<4x32x128xf32, #tpu.memory_space<vmem>> -> memref<1x32x128xf32, #tpu.memory_space<vmem>>
    %dma_start3A_57 = tpu.memref_squeeze %dma_start3A_56 : memref<1x32x128xf32, #tpu.memory_space<vmem>> -> memref<32x128xf32, #tpu.memory_space<vmem>>
    %dma_start3A_58 = arith.constant 0 : i32
    %dma_start3A_59 = tpu.memref_slice %arg2[%dma_start3A_58, %mul3A_43] : memref<32x1000000xf32, #tpu.memory_space<hbm>> -> memref<32x128xf32, #tpu.memory_space<hbm>>
    tpu.enqueue_dma source(%dma_start3A_59 : memref<32x128xf32, #tpu.memory_space<hbm>>) target(%dma_start3A_57 : memref<32x128xf32, #tpu.memory_space<vmem>>) target_semaphore(%dma_start3A_53 : memref<!tpu.dma_semaphore, #tpu.memory_space<semaphore_mem>>)
    %scan3A = arith.constant 0 : i32
    %scan3A_60 = arith.constant 245 : i32
    %scan3A_61 = arith.addi %scan3A, %scan3A_60 : i32
    %scan3A_62 = arith.constant 1 : i32
    scf.for %scan3A_135 = %scan3A to %scan3A_61 step %scan3A_62  : i32 {
      %mul3A_136 = arith.constant 1 : i32
      %mul3A_137 = arith.muli %scan3A_135, %mul3A_136 : i32
      %add3A_138 = arith.constant 0 : i32
      %add3A_139 = arith.addi %add3A_138, %mul3A_137 : i32
      %mul3A_140 = arith.constant 32 : i32
      %mul3A_141 = arith.muli %add3A_139, %mul3A_140 : i32
      %add3A_142 = arith.addi %add3A, %mul3A_141 : i32
      %lt3A = arith.constant 7813 : i32
      %lt3A_143 = arith.cmpi slt, %add3A_142, %lt3A : i32
      %convert_element_type3A = arith.extui %lt3A_143 : i1 to i32
      %cond3A = arith.constant 0 : i32
      %cond3A_144 = arith.cmpi ne, %convert_element_type3A, %cond3A : i32
      scf.if %cond3A_144 {
        %jit3A = arith.constant 4 : i32
        %eq3A = arith.constant 0 : i32
        %eq3A_145 = arith.cmpi eq, %jit3A, %eq3A : i32
        %jit3A_146 = arith.constant 1 : i32
        %select_n3A = arith.select %eq3A_145, %jit3A_146, %jit3A : i32
        %rem3A = arith.remsi %add3A_139, %select_n3A : i32
        %ne3A = arith.constant 0 : i32
        %ne3A_147 = arith.cmpi ne, %rem3A, %ne3A : i32
        %lt3A_148 = arith.constant 0 : i32
        %lt3A_149 = arith.cmpi slt, %rem3A, %lt3A_148 : i32
        %lt3A_150 = arith.constant 0 : i32
        %lt3A_151 = arith.cmpi slt, %select_n3A, %lt3A_150 : i32
        %ne3A_152 = arith.xori %lt3A_149, %lt3A_151 : i1
        %and3A = arith.andi %ne3A_152, %ne3A_147 : i1
        %add3A_153 = arith.addi %rem3A, %select_n3A : i32
        %select_n3A_154 = arith.select %and3A, %add3A_153, %rem3A : i32
        %add3A_155 = arith.constant 96 : i32
        %add3A_156 = arith.addi %add3A_142, %add3A_155 : i32
        %lt3A_157 = arith.constant 7812 : i32
        %lt3A_158 = arith.cmpi slt, %add3A_156, %lt3A_157 : i32
        %convert_element_type3A_159 = arith.extui %lt3A_158 : i1 to i32
        %cond3A_160 = arith.constant 0 : i32
        %cond3A_161 = arith.cmpi ne, %convert_element_type3A_159, %cond3A_160 : i32
        scf.if %cond3A_161 {
          %add3A_197 = arith.constant 96 : i32
          %add3A_198 = arith.addi %add3A_142, %add3A_197 : i32
          %add3A_199 = arith.constant 3 : i32
          %add3A_200 = arith.addi %add3A_139, %add3A_199 : i32
          %jit3A_201 = arith.constant 4 : i32
          %eq3A_202 = arith.constant 0 : i32
          %eq3A_203 = arith.cmpi eq, %jit3A_201, %eq3A_202 : i32
          %jit3A_204 = arith.constant 1 : i32
          %select_n3A_205 = arith.select %eq3A_203, %jit3A_204, %jit3A_201 : i32
          %rem3A_206 = arith.remsi %add3A_200, %select_n3A_205 : i32
          %ne3A_207 = arith.constant 0 : i32
          %ne3A_208 = arith.cmpi ne, %rem3A_206, %ne3A_207 : i32
          %lt3A_209 = arith.constant 0 : i32
          %lt3A_210 = arith.cmpi slt, %rem3A_206, %lt3A_209 : i32
          %lt3A_211 = arith.constant 0 : i32
          %lt3A_212 = arith.cmpi slt, %select_n3A_205, %lt3A_211 : i32
          %ne3A_213 = arith.xori %lt3A_210, %lt3A_212 : i1
          %and3A_214 = arith.andi %ne3A_213, %ne3A_208 : i1
          %add3A_215 = arith.addi %rem3A_206, %select_n3A_205 : i32
          %select_n3A_216 = arith.select %and3A_214, %add3A_215, %rem3A_206 : i32
          %mul3A_217 = arith.constant 128 : i32
          %mul3A_218 = arith.muli %add3A_198, %mul3A_217 : i32
          %dma_start3A_219 = arith.constant 0 : i32
          %dma_start3A_220 = arith.constant 0 : i32
          %dma_start3A_221 = tpu.memref_slice %arg5[%select_n3A_216, %dma_start3A_219, %dma_start3A_220] : memref<4x32x128xf32, #tpu.memory_space<vmem>> -> memref<1x32x128xf32, #tpu.memory_space<vmem>>
          %dma_start3A_222 = tpu.memref_squeeze %dma_start3A_221 : memref<1x32x128xf32, #tpu.memory_space<vmem>> -> memref<32x128xf32, #tpu.memory_space<vmem>>
          %dma_start3A_223 = arith.constant 0 : i32
          %dma_start3A_224 = tpu.memref_slice %arg2[%dma_start3A_223, %mul3A_218] : memref<32x1000000xf32, #tpu.memory_space<hbm>> -> memref<32x128xf32, #tpu.memory_space<hbm>>
          %dma_start3A_225 = tpu.memref_slice %arg7[%select_n3A_216] : memref<4x!tpu.dma_semaphore, #tpu.memory_space<semaphore_mem>> -> memref<1x!tpu.dma_semaphore, #tpu.memory_space<semaphore_mem>>
          %dma_start3A_226 = tpu.memref_squeeze %dma_start3A_225 : memref<1x!tpu.dma_semaphore, #tpu.memory_space<semaphore_mem>> -> memref<!tpu.dma_semaphore, #tpu.memory_space<semaphore_mem>>
          %dma_start3A_227 = arith.constant 0 : i32
          %dma_start3A_228 = arith.constant 0 : i32
          %dma_start3A_229 = tpu.memref_slice %arg5[%select_n3A_216, %dma_start3A_227, %dma_start3A_228] : memref<4x32x128xf32, #tpu.memory_space<vmem>> -> memref<1x32x128xf32, #tpu.memory_space<vmem>>
          %dma_start3A_230 = tpu.memref_squeeze %dma_start3A_229 : memref<1x32x128xf32, #tpu.memory_space<vmem>> -> memref<32x128xf32, #tpu.memory_space<vmem>>
          %dma_start3A_231 = arith.constant 0 : i32
          %dma_start3A_232 = tpu.memref_slice %arg2[%dma_start3A_231, %mul3A_218] : memref<32x1000000xf32, #tpu.memory_space<hbm>> -> memref<32x128xf32, #tpu.memory_space<hbm>>
          tpu.enqueue_dma source(%dma_start3A_232 : memref<32x128xf32, #tpu.memory_space<hbm>>) target(%dma_start3A_230 : memref<32x128xf32, #tpu.memory_space<vmem>>) target_semaphore(%dma_start3A_226 : memref<!tpu.dma_semaphore, #tpu.memory_space<semaphore_mem>>)
        } else {
        }
        %lt3A_162 = arith.constant 7812 : i32
        %lt3A_163 = arith.cmpi slt, %add3A_142, %lt3A_162 : i32
        %convert_element_type3A_164 = arith.extui %lt3A_163 : i1 to i32
        %cond3A_165 = arith.constant 0 : i32
        %cond3A_166 = arith.cmpi ne, %convert_element_type3A_164, %cond3A_165 : i32
        scf.if %cond3A_166 {
          %dma_wait3A_197 = arith.constant 0 : i32
          %dma_wait3A_198 = arith.constant 0 : i32
          %dma_wait3A_199 = tpu.memref_slice %arg5[%select_n3A_154, %dma_wait3A_197, %dma_wait3A_198] : memref<4x32x128xf32, #tpu.memory_space<vmem>> -> memref<1x32x128xf32, #tpu.memory_space<vmem>>
          %dma_wait3A_200 = tpu.memref_squeeze %dma_wait3A_199 : memref<1x32x128xf32, #tpu.memory_space<vmem>> -> memref<32x128xf32, #tpu.memory_space<vmem>>
          %dma_wait3A_201 = arith.constant 0 : i32
          %dma_wait3A_202 = arith.constant 0 : i32
          %dma_wait3A_203 = tpu.memref_slice %arg4[%dma_wait3A_201, %dma_wait3A_202] : memref<250016x128xf32, #tpu.memory_space<hbm>> -> memref<32x128xf32, #tpu.memory_space<hbm>>
          %dma_wait3A_204 = tpu.memref_slice %arg7[%select_n3A_154] : memref<4x!tpu.dma_semaphore, #tpu.memory_space<semaphore_mem>> -> memref<1x!tpu.dma_semaphore, #tpu.memory_space<semaphore_mem>>
          %dma_wait3A_205 = tpu.memref_squeeze %dma_wait3A_204 : memref<1x!tpu.dma_semaphore, #tpu.memory_space<semaphore_mem>> -> memref<!tpu.dma_semaphore, #tpu.memory_space<semaphore_mem>>
          %dma_wait3A_206 = arith.constant 0 : i32
          %dma_wait3A_207 = arith.constant 0 : i32
          %dma_wait3A_208 = tpu.memref_slice %arg5[%select_n3A_154, %dma_wait3A_206, %dma_wait3A_207] : memref<4x32x128xf32, #tpu.memory_space<vmem>> -> memref<1x32x128xf32, #tpu.memory_space<vmem>>
          %dma_wait3A_209 = tpu.memref_squeeze %dma_wait3A_208 : memref<1x32x128xf32, #tpu.memory_space<vmem>> -> memref<32x128xf32, #tpu.memory_space<vmem>>
          %dma_wait3A_210 = arith.constant 0 : i32
          %dma_wait3A_211 = arith.constant 0 : i32
          %dma_wait3A_212 = tpu.memref_slice %arg4[%dma_wait3A_210, %dma_wait3A_211] : memref<250016x128xf32, #tpu.memory_space<hbm>> -> memref<32x128xf32, #tpu.memory_space<hbm>>
          tpu.wait_dma2 semaphore(%dma_wait3A_205 : memref<!tpu.dma_semaphore, #tpu.memory_space<semaphore_mem>>) src(%dma_wait3A_212 : memref<32x128xf32, #tpu.memory_space<hbm>>) dst(%dma_wait3A_209 : memref<32x128xf32, #tpu.memory_space<vmem>>)
        } else {
        }
        %eq3A_167 = arith.constant 7812 : i32
        %eq3A_168 = arith.cmpi eq, %add3A_142, %eq3A_167 : i32
        %convert_element_type3A_169 = arith.extui %eq3A_168 : i1 to i32
        %cond3A_170 = arith.constant 0 : i32
        %cond3A_171 = arith.cmpi ne, %convert_element_type3A_169, %cond3A_170 : i32
        scf.if %cond3A_171 {
          "tpu.region"() ({
            %run_scoped3A = tpu.sem_alloc : memref<!tpu.dma_semaphore, #tpu.memory_space<semaphore_mem>>
            %dma_start3A_197 = arith.constant 0 : i32
            %dma_start3A_198 = arith.constant 0 : i32
            %dma_start3A_199 = tpu.memref_slice %arg5[%select_n3A_154, %dma_start3A_197, %dma_start3A_198] : memref<4x32x128xf32, #tpu.memory_space<vmem>> -> memref<1x32x128xf32, #tpu.memory_space<vmem>>
            %dma_start3A_200 = tpu.memref_squeeze %dma_start3A_199 : memref<1x32x128xf32, #tpu.memory_space<vmem>> -> memref<32x128xf32, #tpu.memory_space<vmem>>
            %dma_start3A_201 = arith.constant 0 : i32
            %dma_start3A_202 = arith.constant 0 : i32
            %dma_start3A_203 = tpu.memref_slice %arg5[%select_n3A_154, %dma_start3A_201, %dma_start3A_202] : memref<4x32x128xf32, #tpu.memory_space<vmem>> -> memref<1x32x128xf32, #tpu.memory_space<vmem>>
            %dma_start3A_204 = tpu.memref_squeeze %dma_start3A_203 : memref<1x32x128xf32, #tpu.memory_space<vmem>> -> memref<32x128xf32, #tpu.memory_space<vmem>>
            tpu.enqueue_dma source(%arg3 : memref<32x128xf32, #tpu.memory_space<hbm>>) target(%dma_start3A_204 : memref<32x128xf32, #tpu.memory_space<vmem>>) target_semaphore(%run_scoped3A : memref<!tpu.dma_semaphore, #tpu.memory_space<semaphore_mem>>)
            %dma_wait3A_205 = arith.constant 0 : i32
            %dma_wait3A_206 = arith.constant 0 : i32
            %dma_wait3A_207 = tpu.memref_slice %arg5[%select_n3A_154, %dma_wait3A_205, %dma_wait3A_206] : memref<4x32x128xf32, #tpu.memory_space<vmem>> -> memref<1x32x128xf32, #tpu.memory_space<vmem>>
            %dma_wait3A_208 = tpu.memref_squeeze %dma_wait3A_207 : memref<1x32x128xf32, #tpu.memory_space<vmem>> -> memref<32x128xf32, #tpu.memory_space<vmem>>
            %dma_wait3A_209 = arith.constant 0 : i32
            %dma_wait3A_210 = arith.constant 0 : i32
            %dma_wait3A_211 = tpu.memref_slice %arg5[%select_n3A_154, %dma_wait3A_209, %dma_wait3A_210] : memref<4x32x128xf32, #tpu.memory_space<vmem>> -> memref<1x32x128xf32, #tpu.memory_space<vmem>>
            %dma_wait3A_212 = tpu.memref_squeeze %dma_wait3A_211 : memref<1x32x128xf32, #tpu.memory_space<vmem>> -> memref<32x128xf32, #tpu.memory_space<vmem>>
            tpu.wait_dma2 semaphore(%run_scoped3A : memref<!tpu.dma_semaphore, #tpu.memory_space<semaphore_mem>>) src(%arg3 : memref<32x128xf32, #tpu.memory_space<hbm>>) dst(%dma_wait3A_212 : memref<32x128xf32, #tpu.memory_space<vmem>>)
            tpu.yield
          }) : () -> ()
        } else {
        }
        %ge3A = arith.constant 4 : i32
        %ge3A_172 = arith.cmpi sge, %add3A_139, %ge3A : i32
        %convert_element_type3A_173 = arith.extui %ge3A_172 : i1 to i32
        %cond3A_174 = arith.constant 0 : i32
        %cond3A_175 = arith.cmpi ne, %convert_element_type3A_173, %cond3A_174 : i32
        scf.if %cond3A_175 {
          %dma_wait3A_197 = arith.constant 0 : i32
          %dma_wait3A_198 = arith.constant 0 : i32
          %dma_wait3A_199 = tpu.memref_slice %arg6[%select_n3A_154, %dma_wait3A_197, %dma_wait3A_198] : memref<4x32x128xf32, #tpu.memory_space<vmem>> -> memref<1x32x128xf32, #tpu.memory_space<vmem>>
          %dma_wait3A_200 = tpu.memref_squeeze %dma_wait3A_199 : memref<1x32x128xf32, #tpu.memory_space<vmem>> -> memref<32x128xf32, #tpu.memory_space<vmem>>
          %dma_wait3A_201 = arith.constant 0 : i32
          %dma_wait3A_202 = arith.constant 0 : i32
          %dma_wait3A_203 = tpu.memref_slice %arg4[%dma_wait3A_201, %dma_wait3A_202] : memref<250016x128xf32, #tpu.memory_space<hbm>> -> memref<32x128xf32, #tpu.memory_space<hbm>>
          %dma_wait3A_204 = tpu.memref_slice %arg8[%select_n3A_154] : memref<4x!tpu.dma_semaphore, #tpu.memory_space<semaphore_mem>> -> memref<1x!tpu.dma_semaphore, #tpu.memory_space<semaphore_mem>>
          %dma_wait3A_205 = tpu.memref_squeeze %dma_wait3A_204 : memref<1x!tpu.dma_semaphore, #tpu.memory_space<semaphore_mem>> -> memref<!tpu.dma_semaphore, #tpu.memory_space<semaphore_mem>>
          %dma_wait3A_206 = arith.constant 0 : i32
          %dma_wait3A_207 = arith.constant 0 : i32
          %dma_wait3A_208 = tpu.memref_slice %arg6[%select_n3A_154, %dma_wait3A_206, %dma_wait3A_207] : memref<4x32x128xf32, #tpu.memory_space<vmem>> -> memref<1x32x128xf32, #tpu.memory_space<vmem>>
          %dma_wait3A_209 = tpu.memref_squeeze %dma_wait3A_208 : memref<1x32x128xf32, #tpu.memory_space<vmem>> -> memref<32x128xf32, #tpu.memory_space<vmem>>
          %dma_wait3A_210 = arith.constant 0 : i32
          %dma_wait3A_211 = arith.constant 0 : i32
          %dma_wait3A_212 = tpu.memref_slice %arg4[%dma_wait3A_210, %dma_wait3A_211] : memref<250016x128xf32, #tpu.memory_space<hbm>> -> memref<32x128xf32, #tpu.memory_space<hbm>>
          tpu.wait_dma2 semaphore(%dma_wait3A_205 : memref<!tpu.dma_semaphore, #tpu.memory_space<semaphore_mem>>) src(%dma_wait3A_212 : memref<32x128xf32, #tpu.memory_space<hbm>>) dst(%dma_wait3A_209 : memref<32x128xf32, #tpu.memory_space<vmem>>)
        } else {
        }
        %scan3A_176 = arith.constant 0 : i32
        %scan3A_177 = arith.constant 16 : i32
        %scan3A_178 = arith.addi %scan3A_176, %scan3A_177 : i32
        %scan3A_179 = arith.constant 1 : i32
        scf.for %scan3A_197 = %scan3A_176 to %scan3A_178 step %scan3A_179  : i32 {
          %mul3A_198 = arith.constant 1 : i32
          %mul3A_199 = arith.muli %scan3A_197, %mul3A_198 : i32
          %add3A_200 = arith.constant 0 : i32
          %add3A_201 = arith.addi %add3A_200, %mul3A_199 : i32
          %jit3A_202 = arith.constant 2 : i32
          %div3A = arith.divsi %add3A_201, %jit3A_202 : i32
          %sign3A = arith.constant 0 : i32
          %sign3A_203 = arith.cmpi sgt, %add3A_201, %sign3A : i32
          %sign3A_204 = arith.extui %sign3A_203 : i1 to i32
          %sign3A_205 = arith.constant 0 : i32
          %sign3A_206 = arith.cmpi slt, %add3A_201, %sign3A_205 : i32
          %sign3A_207 = arith.extui %sign3A_206 : i1 to i32
          %sign3A_208 = arith.subi %sign3A_204, %sign3A_207 : i32
          %sign3A_209 = arith.constant 0 : i32
          %sign3A_210 = arith.cmpi sgt, %jit3A_202, %sign3A_209 : i32
          %sign3A_211 = arith.extui %sign3A_210 : i1 to i32
          %sign3A_212 = arith.constant 0 : i32
          %sign3A_213 = arith.cmpi slt, %jit3A_202, %sign3A_212 : i32
          %sign3A_214 = arith.extui %sign3A_213 : i1 to i32
          %sign3A_215 = arith.subi %sign3A_211, %sign3A_214 : i32
          %ne3A_216 = arith.cmpi ne, %sign3A_208, %sign3A_215 : i32
          %rem3A_217 = arith.remsi %add3A_201, %jit3A_202 : i32
          %ne3A_218 = arith.constant 0 : i32
          %ne3A_219 = arith.cmpi ne, %rem3A_217, %ne3A_218 : i32
          %and3A_220 = arith.andi %ne3A_216, %ne3A_219 : i1
          %sub3A = arith.constant 1 : i32
          %sub3A_221 = arith.subi %div3A, %sub3A : i32
          %select_n3A_222 = arith.select %and3A_220, %sub3A_221, %div3A : i32
          %jit3A_223 = arith.constant 2 : i32
          %eq3A_224 = arith.constant 0 : i32
          %eq3A_225 = arith.cmpi eq, %jit3A_223, %eq3A_224 : i32
          %jit3A_226 = arith.constant 1 : i32
          %select_n3A_227 = arith.select %eq3A_225, %jit3A_226, %jit3A_223 : i32
          %rem3A_228 = arith.remsi %add3A_201, %select_n3A_227 : i32
          %ne3A_229 = arith.constant 0 : i32
          %ne3A_230 = arith.cmpi ne, %rem3A_228, %ne3A_229 : i32
          %lt3A_231 = arith.constant 0 : i32
          %lt3A_232 = arith.cmpi slt, %rem3A_228, %lt3A_231 : i32
          %lt3A_233 = arith.constant 0 : i32
          %lt3A_234 = arith.cmpi slt, %select_n3A_227, %lt3A_233 : i32
          %ne3A_235 = arith.xori %lt3A_232, %lt3A_234 : i1
          %and3A_236 = arith.andi %ne3A_235, %ne3A_230 : i1
          %add3A_237 = arith.addi %rem3A_228, %select_n3A_227 : i32
          %select_n3A_238 = arith.select %and3A_236, %add3A_237, %rem3A_228 : i32
          %mul3A_239 = arith.constant 16 : i32
          %mul3A_240 = arith.muli %select_n3A_222, %mul3A_239 : i32
          %add3A_241 = vector.broadcast %mul3A_240 : i32 to vector<16xi32>
          %add3A_242 = arith.addi %iota3A, %add3A_241 : vector<16xi32>
          %jit3A_243 = arith.constant 4 : i32
          %div3A_244 = vector.broadcast %jit3A_243 : i32 to vector<16xi32>
          %div3A_245 = arith.divsi %add3A_242, %div3A_244 : vector<16xi32>
          %sign3A_246 = arith.constant 0 : i32
          %sign3A_247 = vector.broadcast %sign3A_246 : i32 to vector<16xi32>
          %sign3A_248 = arith.cmpi sgt, %add3A_242, %sign3A_247 : vector<16xi32>
          %sign3A_249 = arith.extui %sign3A_248 : vector<16xi1> to vector<16xi32>
          %sign3A_250 = arith.constant 0 : i32
          %sign3A_251 = vector.broadcast %sign3A_250 : i32 to vector<16xi32>
          %sign3A_252 = arith.cmpi slt, %add3A_242, %sign3A_251 : vector<16xi32>
          %sign3A_253 = arith.extui %sign3A_252 : vector<16xi1> to vector<16xi32>
          %sign3A_254 = arith.subi %sign3A_249, %sign3A_253 : vector<16xi32>
          %sign3A_255 = arith.constant 0 : i32
          %sign3A_256 = arith.cmpi sgt, %jit3A_243, %sign3A_255 : i32
          %sign3A_257 = arith.extui %sign3A_256 : i1 to i32
          %sign3A_258 = arith.constant 0 : i32
          %sign3A_259 = arith.cmpi slt, %jit3A_243, %sign3A_258 : i32
          %sign3A_260 = arith.extui %sign3A_259 : i1 to i32
          %sign3A_261 = arith.subi %sign3A_257, %sign3A_260 : i32
          %ne3A_262 = vector.broadcast %sign3A_261 : i32 to vector<16xi32>
          %ne3A_263 = arith.cmpi ne, %sign3A_254, %ne3A_262 : vector<16xi32>
          %rem3A_264 = vector.broadcast %jit3A_243 : i32 to vector<16xi32>
          %rem3A_265 = arith.remsi %add3A_242, %rem3A_264 : vector<16xi32>
          %ne3A_266 = arith.constant 0 : i32
          %ne3A_267 = vector.broadcast %ne3A_266 : i32 to vector<16xi32>
          %ne3A_268 = arith.cmpi ne, %rem3A_265, %ne3A_267 : vector<16xi32>
          %and3A_269 = arith.andi %ne3A_263, %ne3A_268 : vector<16xi1>
          %sub3A_270 = arith.constant 1 : i32
          %sub3A_271 = vector.broadcast %sub3A_270 : i32 to vector<16xi32>
          %sub3A_272 = arith.subi %div3A_245, %sub3A_271 : vector<16xi32>
          %select_n3A_273 = arith.select %and3A_269, %sub3A_272, %div3A_245 : vector<16xi1>, vector<16xi32>
          %jit3A_274 = arith.constant 4 : i32
          %eq3A_275 = arith.constant 0 : i32
          %eq3A_276 = arith.cmpi eq, %jit3A_274, %eq3A_275 : i32
          %jit3A_277 = arith.constant 1 : i32
          %select_n3A_278 = arith.select %eq3A_276, %jit3A_277, %jit3A_274 : i32
          %rem3A_279 = vector.broadcast %select_n3A_278 : i32 to vector<16xi32>
          %rem3A_280 = arith.remsi %add3A_242, %rem3A_279 : vector<16xi32>
          %ne3A_281 = arith.constant 0 : i32
          %ne3A_282 = vector.broadcast %ne3A_281 : i32 to vector<16xi32>
          %ne3A_283 = arith.cmpi ne, %rem3A_280, %ne3A_282 : vector<16xi32>
          %lt3A_284 = arith.constant 0 : i32
          %lt3A_285 = vector.broadcast %lt3A_284 : i32 to vector<16xi32>
          %lt3A_286 = arith.cmpi slt, %rem3A_280, %lt3A_285 : vector<16xi32>
          %lt3A_287 = arith.constant 0 : i32
          %lt3A_288 = arith.cmpi slt, %select_n3A_278, %lt3A_287 : i32
          %ne3A_289 = vector.broadcast %lt3A_288 : i1 to vector<16xi1>
          %ne3A_290 = vector.broadcast %ne3A_289 : vector<16xi1> to vector<16xi1>
          %ne3A_291 = arith.xori %lt3A_286, %ne3A_290 : vector<16xi1>
          %and3A_292 = arith.andi %ne3A_291, %ne3A_283 : vector<16xi1>
          %add3A_293 = vector.broadcast %select_n3A_278 : i32 to vector<16xi32>
          %add3A_294 = arith.addi %rem3A_280, %add3A_293 : vector<16xi32>
          %select_n3A_295 = arith.select %and3A_292, %add3A_294, %rem3A_280 : vector<16xi1>, vector<16xi32>
          %mul3A_296 = arith.constant 32 : i32
          %mul3A_297 = vector.broadcast %mul3A_296 : i32 to vector<16xi32>
          %mul3A_298 = arith.muli %select_n3A_295, %mul3A_297 : vector<16xi32>
          %mul3A_299 = arith.constant 16 : i32
          %mul3A_300 = arith.muli %select_n3A_238, %mul3A_299 : i32
          %add3A_301 = vector.broadcast %mul3A_300 : i32 to vector<16xi32>
          %add3A_302 = arith.addi %iota3A, %add3A_301 : vector<16xi32>
          %gather3A = arith.constant 0 : i32
          %gather3A_303 = arith.constant 0 : i32
          %gather3A_304 = tpu.memref_slice %arg5[%select_n3A_154, %gather3A, %gather3A_303] : memref<4x32x128xf32, #tpu.memory_space<vmem>> -> memref<1x32x128xf32, #tpu.memory_space<vmem>>
          %gather3A_305 = tpu.memref_squeeze %gather3A_304 : memref<1x32x128xf32, #tpu.memory_space<vmem>> -> memref<32x128xf32, #tpu.memory_space<vmem>>
          %gather3A_306 = tpu.vector_load_idx %gather3A_305[%add3A_302, %add3A_242] : memref<32x128xf32, #tpu.memory_space<vmem>>[vector<16xi32>, vector<16xi32>], vector<16xf32>,
          %add3A_307 = arith.addi %mul3A_298, %add3A_302 : vector<16xi32>
          %scatter3A = arith.constant 0 : i32
          %scatter3A_308 = arith.constant 0 : i32
          %scatter3A_309 = tpu.memref_slice %arg6[%select_n3A_154, %scatter3A, %scatter3A_308] : memref<4x32x128xf32, #tpu.memory_space<vmem>> -> memref<1x32x128xf32, #tpu.memory_space<vmem>>
          %scatter3A_310 = tpu.memref_squeeze %scatter3A_309 : memref<1x32x128xf32, #tpu.memory_space<vmem>> -> memref<32x128xf32, #tpu.memory_space<vmem>>
          tpu.vector_store_idx %scatter3A_310[%select_n3A_273, %add3A_307], %gather3A_306 : memref<32x128xf32, #tpu.memory_space<vmem>>[vector<16xi32>, vector<16xi32>], vector<16xf32>,
          %add3A_311 = arith.constant 1 : i32
          %add3A_312 = vector.broadcast %add3A_311 : i32 to vector<16xi32>
          %add3A_313 = arith.addi %add3A_302, %add3A_312 : vector<16xi32>
          %jit3A_314 = arith.constant 16 : i32
          %eq3A_315 = arith.constant 0 : i32
          %eq3A_316 = arith.cmpi eq, %jit3A_314, %eq3A_315 : i32
          %jit3A_317 = arith.constant 1 : i32
          %select_n3A_318 = arith.select %eq3A_316, %jit3A_317, %jit3A_314 : i32
          %rem3A_319 = vector.broadcast %select_n3A_318 : i32 to vector<16xi32>
          %rem3A_320 = arith.remsi %add3A_313, %rem3A_319 : vector<16xi32>
          %ne3A_321 = arith.constant 0 : i32
          %ne3A_322 = vector.broadcast %ne3A_321 : i32 to vector<16xi32>
          %ne3A_323 = arith.cmpi ne, %rem3A_320, %ne3A_322 : vector<16xi32>
          %lt3A_324 = arith.constant 0 : i32
          %lt3A_325 = vector.broadcast %lt3A_324 : i32 to vector<16xi32>
          %lt3A_326 = arith.cmpi slt, %rem3A_320, %lt3A_325 : vector<16xi32>
          %lt3A_327 = arith.constant 0 : i32
          %lt3A_328 = arith.cmpi slt, %select_n3A_318, %lt3A_327 : i32
          %ne3A_329 = vector.broadcast %lt3A_328 : i1 to vector<16xi1>
          %ne3A_330 = vector.broadcast %ne3A_329 : vector<16xi1> to vector<16xi1>
          %ne3A_331 = arith.xori %lt3A_326, %ne3A_330 : vector<16xi1>
          %and3A_332 = arith.andi %ne3A_331, %ne3A_323 : vector<16xi1>
          %add3A_333 = vector.broadcast %select_n3A_318 : i32 to vector<16xi32>
          %add3A_334 = arith.addi %rem3A_320, %add3A_333 : vector<16xi32>
          %select_n3A_335 = arith.select %and3A_332, %add3A_334, %rem3A_320 : vector<16xi1>, vector<16xi32>
          %mul3A_336 = arith.constant 16 : i32
          %mul3A_337 = arith.muli %select_n3A_238, %mul3A_336 : i32
          %add3A_338 = vector.broadcast %mul3A_337 : i32 to vector<16xi32>
          %add3A_339 = arith.addi %select_n3A_335, %add3A_338 : vector<16xi32>
          %gather3A_340 = arith.constant 0 : i32
          %gather3A_341 = arith.constant 0 : i32
          %gather3A_342 = tpu.memref_slice %arg5[%select_n3A_154, %gather3A_340, %gather3A_341] : memref<4x32x128xf32, #tpu.memory_space<vmem>> -> memref<1x32x128xf32, #tpu.memory_space<vmem>>
          %gather3A_343 = tpu.memref_squeeze %gather3A_342 : memref<1x32x128xf32, #tpu.memory_space<vmem>> -> memref<32x128xf32, #tpu.memory_space<vmem>>
          %gather3A_344 = tpu.vector_load_idx %gather3A_343[%add3A_339, %add3A_242] : memref<32x128xf32, #tpu.memory_space<vmem>>[vector<16xi32>, vector<16xi32>], vector<16xf32>,
          %add3A_345 = arith.addi %mul3A_298, %add3A_339 : vector<16xi32>
          %scatter3A_346 = arith.constant 0 : i32
          %scatter3A_347 = arith.constant 0 : i32
          %scatter3A_348 = tpu.memref_slice %arg6[%select_n3A_154, %scatter3A_346, %scatter3A_347] : memref<4x32x128xf32, #tpu.memory_space<vmem>> -> memref<1x32x128xf32, #tpu.memory_space<vmem>>
          %scatter3A_349 = tpu.memref_squeeze %scatter3A_348 : memref<1x32x128xf32, #tpu.memory_space<vmem>> -> memref<32x128xf32, #tpu.memory_space<vmem>>
          tpu.vector_store_idx %scatter3A_349[%select_n3A_273, %add3A_345], %gather3A_344 : memref<32x128xf32, #tpu.memory_space<vmem>>[vector<16xi32>, vector<16xi32>], vector<16xf32>,
          %add3A_350 = arith.constant 1 : i32
          %add3A_351 = vector.broadcast %add3A_350 : i32 to vector<16xi32>
          %add3A_352 = arith.addi %add3A_339, %add3A_351 : vector<16xi32>
          %jit3A_353 = arith.constant 16 : i32
          %eq3A_354 = arith.constant 0 : i32
          %eq3A_355 = arith.cmpi eq, %jit3A_353, %eq3A_354 : i32
          %jit3A_356 = arith.constant 1 : i32
          %select_n3A_357 = arith.select %eq3A_355, %jit3A_356, %jit3A_353 : i32
          %rem3A_358 = vector.broadcast %select_n3A_357 : i32 to vector<16xi32>
          %rem3A_359 = arith.remsi %add3A_352, %rem3A_358 : vector<16xi32>
          %ne3A_360 = arith.constant 0 : i32
          %ne3A_361 = vector.broadcast %ne3A_360 : i32 to vector<16xi32>
          %ne3A_362 = arith.cmpi ne, %rem3A_359, %ne3A_361 : vector<16xi32>
          %lt3A_363 = arith.constant 0 : i32
          %lt3A_364 = vector.broadcast %lt3A_363 : i32 to vector<16xi32>
          %lt3A_365 = arith.cmpi slt, %rem3A_359, %lt3A_364 : vector<16xi32>
          %lt3A_366 = arith.constant 0 : i32
          %lt3A_367 = arith.cmpi slt, %select_n3A_357, %lt3A_366 : i32
          %ne3A_368 = vector.broadcast %lt3A_367 : i1 to vector<16xi1>
          %ne3A_369 = vector.broadcast %ne3A_368 : vector<16xi1> to vector<16xi1>
          %ne3A_370 = arith.xori %lt3A_365, %ne3A_369 : vector<16xi1>
          %and3A_371 = arith.andi %ne3A_370, %ne3A_362 : vector<16xi1>
          %add3A_372 = vector.broadcast %select_n3A_357 : i32 to vector<16xi32>
          %add3A_373 = arith.addi %rem3A_359, %add3A_372 : vector<16xi32>
          %select_n3A_374 = arith.select %and3A_371, %add3A_373, %rem3A_359 : vector<16xi1>, vector<16xi32>
          %mul3A_375 = arith.constant 16 : i32
          %mul3A_376 = arith.muli %select_n3A_238, %mul3A_375 : i32
          %add3A_377 = vector.broadcast %mul3A_376 : i32 to vector<16xi32>
          %add3A_378 = arith.addi %select_n3A_374, %add3A_377 : vector<16xi32>
          %gather3A_379 = arith.constant 0 : i32
          %gather3A_380 = arith.constant 0 : i32
          %gather3A_381 = tpu.memref_slice %arg5[%select_n3A_154, %gather3A_379, %gather3A_380] : memref<4x32x128xf32, #tpu.memory_space<vmem>> -> memref<1x32x128xf32, #tpu.memory_space<vmem>>
          %gather3A_382 = tpu.memref_squeeze %gather3A_381 : memref<1x32x128xf32, #tpu.memory_space<vmem>> -> memref<32x128xf32, #tpu.memory_space<vmem>>
          %gather3A_383 = tpu.vector_load_idx %gather3A_382[%add3A_378, %add3A_242] : memref<32x128xf32, #tpu.memory_space<vmem>>[vector<16xi32>, vector<16xi32>], vector<16xf32>,
          %add3A_384 = arith.addi %mul3A_298, %add3A_378 : vector<16xi32>
          %scatter3A_385 = arith.constant 0 : i32
          %scatter3A_386 = arith.constant 0 : i32
          %scatter3A_387 = tpu.memref_slice %arg6[%select_n3A_154, %scatter3A_385, %scatter3A_386] : memref<4x32x128xf32, #tpu.memory_space<vmem>> -> memref<1x32x128xf32, #tpu.memory_space<vmem>>
          %scatter3A_388 = tpu.memref_squeeze %scatter3A_387 : memref<1x32x128xf32, #tpu.memory_space<vmem>> -> memref<32x128xf32, #tpu.memory_space<vmem>>
          tpu.vector_store_idx %scatter3A_388[%select_n3A_273, %add3A_384], %gather3A_383 : memref<32x128xf32, #tpu.memory_space<vmem>>[vector<16xi32>, vector<16xi32>], vector<16xf32>,
          %add3A_389 = arith.constant 1 : i32
          %add3A_390 = vector.broadcast %add3A_389 : i32 to vector<16xi32>
          %add3A_391 = arith.addi %add3A_378, %add3A_390 : vector<16xi32>
          %jit3A_392 = arith.constant 16 : i32
          %eq3A_393 = arith.constant 0 : i32
          %eq3A_394 = arith.cmpi eq, %jit3A_392, %eq3A_393 : i32
          %jit3A_395 = arith.constant 1 : i32
          %select_n3A_396 = arith.select %eq3A_394, %jit3A_395, %jit3A_392 : i32
          %rem3A_397 = vector.broadcast %select_n3A_396 : i32 to vector<16xi32>
          %rem3A_398 = arith.remsi %add3A_391, %rem3A_397 : vector<16xi32>
          %ne3A_399 = arith.constant 0 : i32
          %ne3A_400 = vector.broadcast %ne3A_399 : i32 to vector<16xi32>
          %ne3A_401 = arith.cmpi ne, %rem3A_398, %ne3A_400 : vector<16xi32>
          %lt3A_402 = arith.constant 0 : i32
          %lt3A_403 = vector.broadcast %lt3A_402 : i32 to vector<16xi32>
          %lt3A_404 = arith.cmpi slt, %rem3A_398, %lt3A_403 : vector<16xi32>
          %lt3A_405 = arith.constant 0 : i32
          %lt3A_406 = arith.cmpi slt, %select_n3A_396, %lt3A_405 : i32
          %ne3A_407 = vector.broadcast %lt3A_406 : i1 to vector<16xi1>
          %ne3A_408 = vector.broadcast %ne3A_407 : vector<16xi1> to vector<16xi1>
          %ne3A_409 = arith.xori %lt3A_404, %ne3A_408 : vector<16xi1>
          %and3A_410 = arith.andi %ne3A_409, %ne3A_401 : vector<16xi1>
          %add3A_411 = vector.broadcast %select_n3A_396 : i32 to vector<16xi32>
          %add3A_412 = arith.addi %rem3A_398, %add3A_411 : vector<16xi32>
          %select_n3A_413 = arith.select %and3A_410, %add3A_412, %rem3A_398 : vector<16xi1>, vector<16xi32>
          %mul3A_414 = arith.constant 16 : i32
          %mul3A_415 = arith.muli %select_n3A_238, %mul3A_414 : i32
          %add3A_416 = vector.broadcast %mul3A_415 : i32 to vector<16xi32>
          %add3A_417 = arith.addi %select_n3A_413, %add3A_416 : vector<16xi32>
          %gather3A_418 = arith.constant 0 : i32
          %gather3A_419 = arith.constant 0 : i32
          %gather3A_420 = tpu.memref_slice %arg5[%select_n3A_154, %gather3A_418, %gather3A_419] : memref<4x32x128xf32, #tpu.memory_space<vmem>> -> memref<1x32x128xf32, #tpu.memory_space<vmem>>
          %gather3A_421 = tpu.memref_squeeze %gather3A_420 : memref<1x32x128xf32, #tpu.memory_space<vmem>> -> memref<32x128xf32, #tpu.memory_space<vmem>>
          %gather3A_422 = tpu.vector_load_idx %gather3A_421[%add3A_417, %add3A_242] : memref<32x128xf32, #tpu.memory_space<vmem>>[vector<16xi32>, vector<16xi32>], vector<16xf32>,
          %add3A_423 = arith.addi %mul3A_298, %add3A_417 : vector<16xi32>
          %scatter3A_424 = arith.constant 0 : i32
          %scatter3A_425 = arith.constant 0 : i32
          %scatter3A_426 = tpu.memref_slice %arg6[%select_n3A_154, %scatter3A_424, %scatter3A_425] : memref<4x32x128xf32, #tpu.memory_space<vmem>> -> memref<1x32x128xf32, #tpu.memory_space<vmem>>
          %scatter3A_427 = tpu.memref_squeeze %scatter3A_426 : memref<1x32x128xf32, #tpu.memory_space<vmem>> -> memref<32x128xf32, #tpu.memory_space<vmem>>
          tpu.vector_store_idx %scatter3A_427[%select_n3A_273, %add3A_423], %gather3A_422 : memref<32x128xf32, #tpu.memory_space<vmem>>[vector<16xi32>, vector<16xi32>], vector<16xf32>,
          %add3A_428 = arith.constant 1 : i32
          %add3A_429 = vector.broadcast %add3A_428 : i32 to vector<16xi32>
          %add3A_430 = arith.addi %add3A_417, %add3A_429 : vector<16xi32>
          %jit3A_431 = arith.constant 16 : i32
          %eq3A_432 = arith.constant 0 : i32
          %eq3A_433 = arith.cmpi eq, %jit3A_431, %eq3A_432 : i32
          %jit3A_434 = arith.constant 1 : i32
          %select_n3A_435 = arith.select %eq3A_433, %jit3A_434, %jit3A_431 : i32
          %rem3A_436 = vector.broadcast %select_n3A_435 : i32 to vector<16xi32>
          %rem3A_437 = arith.remsi %add3A_430, %rem3A_436 : vector<16xi32>
          %ne3A_438 = arith.constant 0 : i32
          %ne3A_439 = vector.broadcast %ne3A_438 : i32 to vector<16xi32>
          %ne3A_440 = arith.cmpi ne, %rem3A_437, %ne3A_439 : vector<16xi32>
          %lt3A_441 = arith.constant 0 : i32
          %lt3A_442 = vector.broadcast %lt3A_441 : i32 to vector<16xi32>
          %lt3A_443 = arith.cmpi slt, %rem3A_437, %lt3A_442 : vector<16xi32>
          %lt3A_444 = arith.constant 0 : i32
          %lt3A_445 = arith.cmpi slt, %select_n3A_435, %lt3A_444 : i32
          %ne3A_446 = vector.broadcast %lt3A_445 : i1 to vector<16xi1>
          %ne3A_447 = vector.broadcast %ne3A_446 : vector<16xi1> to vector<16xi1>
          %ne3A_448 = arith.xori %lt3A_443, %ne3A_447 : vector<16xi1>
          %and3A_449 = arith.andi %ne3A_448, %ne3A_440 : vector<16xi1>
          %add3A_450 = vector.broadcast %select_n3A_435 : i32 to vector<16xi32>
          %add3A_451 = arith.addi %rem3A_437, %add3A_450 : vector<16xi32>
          %select_n3A_452 = arith.select %and3A_449, %add3A_451, %rem3A_437 : vector<16xi1>, vector<16xi32>
          %mul3A_453 = arith.constant 16 : i32
          %mul3A_454 = arith.muli %select_n3A_238, %mul3A_453 : i32
          %add3A_455 = vector.broadcast %mul3A_454 : i32 to vector<16xi32>
          %add3A_456 = arith.addi %select_n3A_452, %add3A_455 : vector<16xi32>
          %gather3A_457 = arith.constant 0 : i32
          %gather3A_458 = arith.constant 0 : i32
          %gather3A_459 = tpu.memref_slice %arg5[%select_n3A_154, %gather3A_457, %gather3A_458] : memref<4x32x128xf32, #tpu.memory_space<vmem>> -> memref<1x32x128xf32, #tpu.memory_space<vmem>>
          %gather3A_460 = tpu.memref_squeeze %gather3A_459 : memref<1x32x128xf32, #tpu.memory_space<vmem>> -> memref<32x128xf32, #tpu.memory_space<vmem>>
          %gather3A_461 = tpu.vector_load_idx %gather3A_460[%add3A_456, %add3A_242] : memref<32x128xf32, #tpu.memory_space<vmem>>[vector<16xi32>, vector<16xi32>], vector<16xf32>,
          %add3A_462 = arith.addi %mul3A_298, %add3A_456 : vector<16xi32>
          %scatter3A_463 = arith.constant 0 : i32
          %scatter3A_464 = arith.constant 0 : i32
          %scatter3A_465 = tpu.memref_slice %arg6[%select_n3A_154, %scatter3A_463, %scatter3A_464] : memref<4x32x128xf32, #tpu.memory_space<vmem>> -> memref<1x32x128xf32, #tpu.memory_space<vmem>>
          %scatter3A_466 = tpu.memref_squeeze %scatter3A_465 : memref<1x32x128xf32, #tpu.memory_space<vmem>> -> memref<32x128xf32, #tpu.memory_space<vmem>>
          tpu.vector_store_idx %scatter3A_466[%select_n3A_273, %add3A_462], %gather3A_461 : memref<32x128xf32, #tpu.memory_space<vmem>>[vector<16xi32>, vector<16xi32>], vector<16xf32>,
          %add3A_467 = arith.constant 1 : i32
          %add3A_468 = vector.broadcast %add3A_467 : i32 to vector<16xi32>
          %add3A_469 = arith.addi %add3A_456, %add3A_468 : vector<16xi32>
          %jit3A_470 = arith.constant 16 : i32
          %eq3A_471 = arith.constant 0 : i32
          %eq3A_472 = arith.cmpi eq, %jit3A_470, %eq3A_471 : i32
          %jit3A_473 = arith.constant 1 : i32
          %select_n3A_474 = arith.select %eq3A_472, %jit3A_473, %jit3A_470 : i32
          %rem3A_475 = vector.broadcast %select_n3A_474 : i32 to vector<16xi32>
          %rem3A_476 = arith.remsi %add3A_469, %rem3A_475 : vector<16xi32>
          %ne3A_477 = arith.constant 0 : i32
          %ne3A_478 = vector.broadcast %ne3A_477 : i32 to vector<16xi32>
          %ne3A_479 = arith.cmpi ne, %rem3A_476, %ne3A_478 : vector<16xi32>
          %lt3A_480 = arith.constant 0 : i32
          %lt3A_481 = vector.broadcast %lt3A_480 : i32 to vector<16xi32>
          %lt3A_482 = arith.cmpi slt, %rem3A_476, %lt3A_481 : vector<16xi32>
          %lt3A_483 = arith.constant 0 : i32
          %lt3A_484 = arith.cmpi slt, %select_n3A_474, %lt3A_483 : i32
          %ne3A_485 = vector.broadcast %lt3A_484 : i1 to vector<16xi1>
          %ne3A_486 = vector.broadcast %ne3A_485 : vector<16xi1> to vector<16xi1>
          %ne3A_487 = arith.xori %lt3A_482, %ne3A_486 : vector<16xi1>
          %and3A_488 = arith.andi %ne3A_487, %ne3A_479 : vector<16xi1>
          %add3A_489 = vector.broadcast %select_n3A_474 : i32 to vector<16xi32>
          %add3A_490 = arith.addi %rem3A_476, %add3A_489 : vector<16xi32>
          %select_n3A_491 = arith.select %and3A_488, %add3A_490, %rem3A_476 : vector<16xi1>, vector<16xi32>
          %mul3A_492 = arith.constant 16 : i32
          %mul3A_493 = arith.muli %select_n3A_238, %mul3A_492 : i32
          %add3A_494 = vector.broadcast %mul3A_493 : i32 to vector<16xi32>
          %add3A_495 = arith.addi %select_n3A_491, %add3A_494 : vector<16xi32>
          %gather3A_496 = arith.constant 0 : i32
          %gather3A_497 = arith.constant 0 : i32
          %gather3A_498 = tpu.memref_slice %arg5[%select_n3A_154, %gather3A_496, %gather3A_497] : memref<4x32x128xf32, #tpu.memory_space<vmem>> -> memref<1x32x128xf32, #tpu.memory_space<vmem>>
          %gather3A_499 = tpu.memref_squeeze %gather3A_498 : memref<1x32x128xf32, #tpu.memory_space<vmem>> -> memref<32x128xf32, #tpu.memory_space<vmem>>
          %gather3A_500 = tpu.vector_load_idx %gather3A_499[%add3A_495, %add3A_242] : memref<32x128xf32, #tpu.memory_space<vmem>>[vector<16xi32>, vector<16xi32>], vector<16xf32>,
          %add3A_501 = arith.addi %mul3A_298, %add3A_495 : vector<16xi32>
          %scatter3A_502 = arith.constant 0 : i32
          %scatter3A_503 = arith.constant 0 : i32
          %scatter3A_504 = tpu.memref_slice %arg6[%select_n3A_154, %scatter3A_502, %scatter3A_503] : memref<4x32x128xf32, #tpu.memory_space<vmem>> -> memref<1x32x128xf32, #tpu.memory_space<vmem>>
          %scatter3A_505 = tpu.memref_squeeze %scatter3A_504 : memref<1x32x128xf32, #tpu.memory_space<vmem>> -> memref<32x128xf32, #tpu.memory_space<vmem>>
          tpu.vector_store_idx %scatter3A_505[%select_n3A_273, %add3A_501], %gather3A_500 : memref<32x128xf32, #tpu.memory_space<vmem>>[vector<16xi32>, vector<16xi32>], vector<16xf32>,
          %add3A_506 = arith.constant 1 : i32
          %add3A_507 = vector.broadcast %add3A_506 : i32 to vector<16xi32>
          %add3A_508 = arith.addi %add3A_495, %add3A_507 : vector<16xi32>
          %jit3A_509 = arith.constant 16 : i32
          %eq3A_510 = arith.constant 0 : i32
          %eq3A_511 = arith.cmpi eq, %jit3A_509, %eq3A_510 : i32
          %jit3A_512 = arith.constant 1 : i32
          %select_n3A_513 = arith.select %eq3A_511, %jit3A_512, %jit3A_509 : i32
          %rem3A_514 = vector.broadcast %select_n3A_513 : i32 to vector<16xi32>
          %rem3A_515 = arith.remsi %add3A_508, %rem3A_514 : vector<16xi32>
          %ne3A_516 = arith.constant 0 : i32
          %ne3A_517 = vector.broadcast %ne3A_516 : i32 to vector<16xi32>
          %ne3A_518 = arith.cmpi ne, %rem3A_515, %ne3A_517 : vector<16xi32>
          %lt3A_519 = arith.constant 0 : i32
          %lt3A_520 = vector.broadcast %lt3A_519 : i32 to vector<16xi32>
          %lt3A_521 = arith.cmpi slt, %rem3A_515, %lt3A_520 : vector<16xi32>
          %lt3A_522 = arith.constant 0 : i32
          %lt3A_523 = arith.cmpi slt, %select_n3A_513, %lt3A_522 : i32
          %ne3A_524 = vector.broadcast %lt3A_523 : i1 to vector<16xi1>
          %ne3A_525 = vector.broadcast %ne3A_524 : vector<16xi1> to vector<16xi1>
          %ne3A_526 = arith.xori %lt3A_521, %ne3A_525 : vector<16xi1>
          %and3A_527 = arith.andi %ne3A_526, %ne3A_518 : vector<16xi1>
          %add3A_528 = vector.broadcast %select_n3A_513 : i32 to vector<16xi32>
          %add3A_529 = arith.addi %rem3A_515, %add3A_528 : vector<16xi32>
          %select_n3A_530 = arith.select %and3A_527, %add3A_529, %rem3A_515 : vector<16xi1>, vector<16xi32>
          %mul3A_531 = arith.constant 16 : i32
          %mul3A_532 = arith.muli %select_n3A_238, %mul3A_531 : i32
          %add3A_533 = vector.broadcast %mul3A_532 : i32 to vector<16xi32>
          %add3A_534 = arith.addi %select_n3A_530, %add3A_533 : vector<16xi32>
          %gather3A_535 = arith.constant 0 : i32
          %gather3A_536 = arith.constant 0 : i32
          %gather3A_537 = tpu.memref_slice %arg5[%select_n3A_154, %gather3A_535, %gather3A_536] : memref<4x32x128xf32, #tpu.memory_space<vmem>> -> memref<1x32x128xf32, #tpu.memory_space<vmem>>
          %gather3A_538 = tpu.memref_squeeze %gather3A_537 : memref<1x32x128xf32, #tpu.memory_space<vmem>> -> memref<32x128xf32, #tpu.memory_space<vmem>>
          %gather3A_539 = tpu.vector_load_idx %gather3A_538[%add3A_534, %add3A_242] : memref<32x128xf32, #tpu.memory_space<vmem>>[vector<16xi32>, vector<16xi32>], vector<16xf32>,
          %add3A_540 = arith.addi %mul3A_298, %add3A_534 : vector<16xi32>
          %scatter3A_541 = arith.constant 0 : i32
          %scatter3A_542 = arith.constant 0 : i32
          %scatter3A_543 = tpu.memref_slice %arg6[%select_n3A_154, %scatter3A_541, %scatter3A_542] : memref<4x32x128xf32, #tpu.memory_space<vmem>> -> memref<1x32x128xf32, #tpu.memory_space<vmem>>
          %scatter3A_544 = tpu.memref_squeeze %scatter3A_543 : memref<1x32x128xf32, #tpu.memory_space<vmem>> -> memref<32x128xf32, #tpu.memory_space<vmem>>
          tpu.vector_store_idx %scatter3A_544[%select_n3A_273, %add3A_540], %gather3A_539 : memref<32x128xf32, #tpu.memory_space<vmem>>[vector<16xi32>, vector<16xi32>], vector<16xf32>,
          %add3A_545 = arith.constant 1 : i32
          %add3A_546 = vector.broadcast %add3A_545 : i32 to vector<16xi32>
          %add3A_547 = arith.addi %add3A_534, %add3A_546 : vector<16xi32>
          %jit3A_548 = arith.constant 16 : i32
          %eq3A_549 = arith.constant 0 : i32
          %eq3A_550 = arith.cmpi eq, %jit3A_548, %eq3A_549 : i32
          %jit3A_551 = arith.constant 1 : i32
          %select_n3A_552 = arith.select %eq3A_550, %jit3A_551, %jit3A_548 : i32
          %rem3A_553 = vector.broadcast %select_n3A_552 : i32 to vector<16xi32>
          %rem3A_554 = arith.remsi %add3A_547, %rem3A_553 : vector<16xi32>
          %ne3A_555 = arith.constant 0 : i32
          %ne3A_556 = vector.broadcast %ne3A_555 : i32 to vector<16xi32>
          %ne3A_557 = arith.cmpi ne, %rem3A_554, %ne3A_556 : vector<16xi32>
          %lt3A_558 = arith.constant 0 : i32
          %lt3A_559 = vector.broadcast %lt3A_558 : i32 to vector<16xi32>
          %lt3A_560 = arith.cmpi slt, %rem3A_554, %lt3A_559 : vector<16xi32>
          %lt3A_561 = arith.constant 0 : i32
          %lt3A_562 = arith.cmpi slt, %select_n3A_552, %lt3A_561 : i32
          %ne3A_563 = vector.broadcast %lt3A_562 : i1 to vector<16xi1>
          %ne3A_564 = vector.broadcast %ne3A_563 : vector<16xi1> to vector<16xi1>
          %ne3A_565 = arith.xori %lt3A_560, %ne3A_564 : vector<16xi1>
          %and3A_566 = arith.andi %ne3A_565, %ne3A_557 : vector<16xi1>
          %add3A_567 = vector.broadcast %select_n3A_552 : i32 to vector<16xi32>
          %add3A_568 = arith.addi %rem3A_554, %add3A_567 : vector<16xi32>
          %select_n3A_569 = arith.select %and3A_566, %add3A_568, %rem3A_554 : vector<16xi1>, vector<16xi32>
          %mul3A_570 = arith.constant 16 : i32
          %mul3A_571 = arith.muli %select_n3A_238, %mul3A_570 : i32
          %add3A_572 = vector.broadcast %mul3A_571 : i32 to vector<16xi32>
          %add3A_573 = arith.addi %select_n3A_569, %add3A_572 : vector<16xi32>
          %gather3A_574 = arith.constant 0 : i32
          %gather3A_575 = arith.constant 0 : i32
          %gather3A_576 = tpu.memref_slice %arg5[%select_n3A_154, %gather3A_574, %gather3A_575] : memref<4x32x128xf32, #tpu.memory_space<vmem>> -> memref<1x32x128xf32, #tpu.memory_space<vmem>>
          %gather3A_577 = tpu.memref_squeeze %gather3A_576 : memref<1x32x128xf32, #tpu.memory_space<vmem>> -> memref<32x128xf32, #tpu.memory_space<vmem>>
          %gather3A_578 = tpu.vector_load_idx %gather3A_577[%add3A_573, %add3A_242] : memref<32x128xf32, #tpu.memory_space<vmem>>[vector<16xi32>, vector<16xi32>], vector<16xf32>,
          %add3A_579 = arith.addi %mul3A_298, %add3A_573 : vector<16xi32>
          %scatter3A_580 = arith.constant 0 : i32
          %scatter3A_581 = arith.constant 0 : i32
          %scatter3A_582 = tpu.memref_slice %arg6[%select_n3A_154, %scatter3A_580, %scatter3A_581] : memref<4x32x128xf32, #tpu.memory_space<vmem>> -> memref<1x32x128xf32, #tpu.memory_space<vmem>>
          %scatter3A_583 = tpu.memref_squeeze %scatter3A_582 : memref<1x32x128xf32, #tpu.memory_space<vmem>> -> memref<32x128xf32, #tpu.memory_space<vmem>>
          tpu.vector_store_idx %scatter3A_583[%select_n3A_273, %add3A_579], %gather3A_578 : memref<32x128xf32, #tpu.memory_space<vmem>>[vector<16xi32>, vector<16xi32>], vector<16xf32>,
          %add3A_584 = arith.constant 1 : i32
          %add3A_585 = vector.broadcast %add3A_584 : i32 to vector<16xi32>
          %add3A_586 = arith.addi %add3A_573, %add3A_585 : vector<16xi32>
          %jit3A_587 = arith.constant 16 : i32
          %eq3A_588 = arith.constant 0 : i32
          %eq3A_589 = arith.cmpi eq, %jit3A_587, %eq3A_588 : i32
          %jit3A_590 = arith.constant 1 : i32
          %select_n3A_591 = arith.select %eq3A_589, %jit3A_590, %jit3A_587 : i32
          %rem3A_592 = vector.broadcast %select_n3A_591 : i32 to vector<16xi32>
          %rem3A_593 = arith.remsi %add3A_586, %rem3A_592 : vector<16xi32>
          %ne3A_594 = arith.constant 0 : i32
          %ne3A_595 = vector.broadcast %ne3A_594 : i32 to vector<16xi32>
          %ne3A_596 = arith.cmpi ne, %rem3A_593, %ne3A_595 : vector<16xi32>
          %lt3A_597 = arith.constant 0 : i32
          %lt3A_598 = vector.broadcast %lt3A_597 : i32 to vector<16xi32>
          %lt3A_599 = arith.cmpi slt, %rem3A_593, %lt3A_598 : vector<16xi32>
          %lt3A_600 = arith.constant 0 : i32
          %lt3A_601 = arith.cmpi slt, %select_n3A_591, %lt3A_600 : i32
          %ne3A_602 = vector.broadcast %lt3A_601 : i1 to vector<16xi1>
          %ne3A_603 = vector.broadcast %ne3A_602 : vector<16xi1> to vector<16xi1>
          %ne3A_604 = arith.xori %lt3A_599, %ne3A_603 : vector<16xi1>
          %and3A_605 = arith.andi %ne3A_604, %ne3A_596 : vector<16xi1>
          %add3A_606 = vector.broadcast %select_n3A_591 : i32 to vector<16xi32>
          %add3A_607 = arith.addi %rem3A_593, %add3A_606 : vector<16xi32>
          %select_n3A_608 = arith.select %and3A_605, %add3A_607, %rem3A_593 : vector<16xi1>, vector<16xi32>
          %mul3A_609 = arith.constant 16 : i32
          %mul3A_610 = arith.muli %select_n3A_238, %mul3A_609 : i32
          %add3A_611 = vector.broadcast %mul3A_610 : i32 to vector<16xi32>
          %add3A_612 = arith.addi %select_n3A_608, %add3A_611 : vector<16xi32>
          %gather3A_613 = arith.constant 0 : i32
          %gather3A_614 = arith.constant 0 : i32
          %gather3A_615 = tpu.memref_slice %arg5[%select_n3A_154, %gather3A_613, %gather3A_614] : memref<4x32x128xf32, #tpu.memory_space<vmem>> -> memref<1x32x128xf32, #tpu.memory_space<vmem>>
          %gather3A_616 = tpu.memref_squeeze %gather3A_615 : memref<1x32x128xf32, #tpu.memory_space<vmem>> -> memref<32x128xf32, #tpu.memory_space<vmem>>
          %gather3A_617 = tpu.vector_load_idx %gather3A_616[%add3A_612, %add3A_242] : memref<32x128xf32, #tpu.memory_space<vmem>>[vector<16xi32>, vector<16xi32>], vector<16xf32>,
          %add3A_618 = arith.addi %mul3A_298, %add3A_612 : vector<16xi32>
          %scatter3A_619 = arith.constant 0 : i32
          %scatter3A_620 = arith.constant 0 : i32
          %scatter3A_621 = tpu.memref_slice %arg6[%select_n3A_154, %scatter3A_619, %scatter3A_620] : memref<4x32x128xf32, #tpu.memory_space<vmem>> -> memref<1x32x128xf32, #tpu.memory_space<vmem>>
          %scatter3A_622 = tpu.memref_squeeze %scatter3A_621 : memref<1x32x128xf32, #tpu.memory_space<vmem>> -> memref<32x128xf32, #tpu.memory_space<vmem>>
          tpu.vector_store_idx %scatter3A_622[%select_n3A_273, %add3A_618], %gather3A_617 : memref<32x128xf32, #tpu.memory_space<vmem>>[vector<16xi32>, vector<16xi32>], vector<16xf32>,
          %add3A_623 = arith.constant 1 : i32
          %add3A_624 = vector.broadcast %add3A_623 : i32 to vector<16xi32>
          %add3A_625 = arith.addi %add3A_612, %add3A_624 : vector<16xi32>
          %jit3A_626 = arith.constant 16 : i32
          %eq3A_627 = arith.constant 0 : i32
          %eq3A_628 = arith.cmpi eq, %jit3A_626, %eq3A_627 : i32
          %jit3A_629 = arith.constant 1 : i32
          %select_n3A_630 = arith.select %eq3A_628, %jit3A_629, %jit3A_626 : i32
          %rem3A_631 = vector.broadcast %select_n3A_630 : i32 to vector<16xi32>
          %rem3A_632 = arith.remsi %add3A_625, %rem3A_631 : vector<16xi32>
          %ne3A_633 = arith.constant 0 : i32
          %ne3A_634 = vector.broadcast %ne3A_633 : i32 to vector<16xi32>
          %ne3A_635 = arith.cmpi ne, %rem3A_632, %ne3A_634 : vector<16xi32>
          %lt3A_636 = arith.constant 0 : i32
          %lt3A_637 = vector.broadcast %lt3A_636 : i32 to vector<16xi32>
          %lt3A_638 = arith.cmpi slt, %rem3A_632, %lt3A_637 : vector<16xi32>
          %lt3A_639 = arith.constant 0 : i32
          %lt3A_640 = arith.cmpi slt, %select_n3A_630, %lt3A_639 : i32
          %ne3A_641 = vector.broadcast %lt3A_640 : i1 to vector<16xi1>
          %ne3A_642 = vector.broadcast %ne3A_641 : vector<16xi1> to vector<16xi1>
          %ne3A_643 = arith.xori %lt3A_638, %ne3A_642 : vector<16xi1>
          %and3A_644 = arith.andi %ne3A_643, %ne3A_635 : vector<16xi1>
          %add3A_645 = vector.broadcast %select_n3A_630 : i32 to vector<16xi32>
          %add3A_646 = arith.addi %rem3A_632, %add3A_645 : vector<16xi32>
          %select_n3A_647 = arith.select %and3A_644, %add3A_646, %rem3A_632 : vector<16xi1>, vector<16xi32>
          %mul3A_648 = arith.constant 16 : i32
          %mul3A_649 = arith.muli %select_n3A_238, %mul3A_648 : i32
          %add3A_650 = vector.broadcast %mul3A_649 : i32 to vector<16xi32>
          %add3A_651 = arith.addi %select_n3A_647, %add3A_650 : vector<16xi32>
          %gather3A_652 = arith.constant 0 : i32
          %gather3A_653 = arith.constant 0 : i32
          %gather3A_654 = tpu.memref_slice %arg5[%select_n3A_154, %gather3A_652, %gather3A_653] : memref<4x32x128xf32, #tpu.memory_space<vmem>> -> memref<1x32x128xf32, #tpu.memory_space<vmem>>
          %gather3A_655 = tpu.memref_squeeze %gather3A_654 : memref<1x32x128xf32, #tpu.memory_space<vmem>> -> memref<32x128xf32, #tpu.memory_space<vmem>>
          %gather3A_656 = tpu.vector_load_idx %gather3A_655[%add3A_651, %add3A_242] : memref<32x128xf32, #tpu.memory_space<vmem>>[vector<16xi32>, vector<16xi32>], vector<16xf32>,
          %add3A_657 = arith.addi %mul3A_298, %add3A_651 : vector<16xi32>
          %scatter3A_658 = arith.constant 0 : i32
          %scatter3A_659 = arith.constant 0 : i32
          %scatter3A_660 = tpu.memref_slice %arg6[%select_n3A_154, %scatter3A_658, %scatter3A_659] : memref<4x32x128xf32, #tpu.memory_space<vmem>> -> memref<1x32x128xf32, #tpu.memory_space<vmem>>
          %scatter3A_661 = tpu.memref_squeeze %scatter3A_660 : memref<1x32x128xf32, #tpu.memory_space<vmem>> -> memref<32x128xf32, #tpu.memory_space<vmem>>
          tpu.vector_store_idx %scatter3A_661[%select_n3A_273, %add3A_657], %gather3A_656 : memref<32x128xf32, #tpu.memory_space<vmem>>[vector<16xi32>, vector<16xi32>], vector<16xf32>,
          %add3A_662 = arith.constant 1 : i32
          %add3A_663 = vector.broadcast %add3A_662 : i32 to vector<16xi32>
          %add3A_664 = arith.addi %add3A_651, %add3A_663 : vector<16xi32>
          %jit3A_665 = arith.constant 16 : i32
          %eq3A_666 = arith.constant 0 : i32
          %eq3A_667 = arith.cmpi eq, %jit3A_665, %eq3A_666 : i32
          %jit3A_668 = arith.constant 1 : i32
          %select_n3A_669 = arith.select %eq3A_667, %jit3A_668, %jit3A_665 : i32
          %rem3A_670 = vector.broadcast %select_n3A_669 : i32 to vector<16xi32>
          %rem3A_671 = arith.remsi %add3A_664, %rem3A_670 : vector<16xi32>
          %ne3A_672 = arith.constant 0 : i32
          %ne3A_673 = vector.broadcast %ne3A_672 : i32 to vector<16xi32>
          %ne3A_674 = arith.cmpi ne, %rem3A_671, %ne3A_673 : vector<16xi32>
          %lt3A_675 = arith.constant 0 : i32
          %lt3A_676 = vector.broadcast %lt3A_675 : i32 to vector<16xi32>
          %lt3A_677 = arith.cmpi slt, %rem3A_671, %lt3A_676 : vector<16xi32>
          %lt3A_678 = arith.constant 0 : i32
          %lt3A_679 = arith.cmpi slt, %select_n3A_669, %lt3A_678 : i32
          %ne3A_680 = vector.broadcast %lt3A_679 : i1 to vector<16xi1>
          %ne3A_681 = vector.broadcast %ne3A_680 : vector<16xi1> to vector<16xi1>
          %ne3A_682 = arith.xori %lt3A_677, %ne3A_681 : vector<16xi1>
          %and3A_683 = arith.andi %ne3A_682, %ne3A_674 : vector<16xi1>
          %add3A_684 = vector.broadcast %select_n3A_669 : i32 to vector<16xi32>
          %add3A_685 = arith.addi %rem3A_671, %add3A_684 : vector<16xi32>
          %select_n3A_686 = arith.select %and3A_683, %add3A_685, %rem3A_671 : vector<16xi1>, vector<16xi32>
          %mul3A_687 = arith.constant 16 : i32
          %mul3A_688 = arith.muli %select_n3A_238, %mul3A_687 : i32
          %add3A_689 = vector.broadcast %mul3A_688 : i32 to vector<16xi32>
          %add3A_690 = arith.addi %select_n3A_686, %add3A_689 : vector<16xi32>
          %gather3A_691 = arith.constant 0 : i32
          %gather3A_692 = arith.constant 0 : i32
          %gather3A_693 = tpu.memref_slice %arg5[%select_n3A_154, %gather3A_691, %gather3A_692] : memref<4x32x128xf32, #tpu.memory_space<vmem>> -> memref<1x32x128xf32, #tpu.memory_space<vmem>>
          %gather3A_694 = tpu.memref_squeeze %gather3A_693 : memref<1x32x128xf32, #tpu.memory_space<vmem>> -> memref<32x128xf32, #tpu.memory_space<vmem>>
          %gather3A_695 = tpu.vector_load_idx %gather3A_694[%add3A_690, %add3A_242] : memref<32x128xf32, #tpu.memory_space<vmem>>[vector<16xi32>, vector<16xi32>], vector<16xf32>,
          %add3A_696 = arith.addi %mul3A_298, %add3A_690 : vector<16xi32>
          %scatter3A_697 = arith.constant 0 : i32
          %scatter3A_698 = arith.constant 0 : i32
          %scatter3A_699 = tpu.memref_slice %arg6[%select_n3A_154, %scatter3A_697, %scatter3A_698] : memref<4x32x128xf32, #tpu.memory_space<vmem>> -> memref<1x32x128xf32, #tpu.memory_space<vmem>>
          %scatter3A_700 = tpu.memref_squeeze %scatter3A_699 : memref<1x32x128xf32, #tpu.memory_space<vmem>> -> memref<32x128xf32, #tpu.memory_space<vmem>>
          tpu.vector_store_idx %scatter3A_700[%select_n3A_273, %add3A_696], %gather3A_695 : memref<32x128xf32, #tpu.memory_space<vmem>>[vector<16xi32>, vector<16xi32>], vector<16xf32>,
          %add3A_701 = arith.constant 1 : i32
          %add3A_702 = vector.broadcast %add3A_701 : i32 to vector<16xi32>
          %add3A_703 = arith.addi %add3A_690, %add3A_702 : vector<16xi32>
          %jit3A_704 = arith.constant 16 : i32
          %eq3A_705 = arith.constant 0 : i32
          %eq3A_706 = arith.cmpi eq, %jit3A_704, %eq3A_705 : i32
          %jit3A_707 = arith.constant 1 : i32
          %select_n3A_708 = arith.select %eq3A_706, %jit3A_707, %jit3A_704 : i32
          %rem3A_709 = vector.broadcast %select_n3A_708 : i32 to vector<16xi32>
          %rem3A_710 = arith.remsi %add3A_703, %rem3A_709 : vector<16xi32>
          %ne3A_711 = arith.constant 0 : i32
          %ne3A_712 = vector.broadcast %ne3A_711 : i32 to vector<16xi32>
          %ne3A_713 = arith.cmpi ne, %rem3A_710, %ne3A_712 : vector<16xi32>
          %lt3A_714 = arith.constant 0 : i32
          %lt3A_715 = vector.broadcast %lt3A_714 : i32 to vector<16xi32>
          %lt3A_716 = arith.cmpi slt, %rem3A_710, %lt3A_715 : vector<16xi32>
          %lt3A_717 = arith.constant 0 : i32
          %lt3A_718 = arith.cmpi slt, %select_n3A_708, %lt3A_717 : i32
          %ne3A_719 = vector.broadcast %lt3A_718 : i1 to vector<16xi1>
          %ne3A_720 = vector.broadcast %ne3A_719 : vector<16xi1> to vector<16xi1>
          %ne3A_721 = arith.xori %lt3A_716, %ne3A_720 : vector<16xi1>
          %and3A_722 = arith.andi %ne3A_721, %ne3A_713 : vector<16xi1>
          %add3A_723 = vector.broadcast %select_n3A_708 : i32 to vector<16xi32>
          %add3A_724 = arith.addi %rem3A_710, %add3A_723 : vector<16xi32>
          %select_n3A_725 = arith.select %and3A_722, %add3A_724, %rem3A_710 : vector<16xi1>, vector<16xi32>
          %mul3A_726 = arith.constant 16 : i32
          %mul3A_727 = arith.muli %select_n3A_238, %mul3A_726 : i32
          %add3A_728 = vector.broadcast %mul3A_727 : i32 to vector<16xi32>
          %add3A_729 = arith.addi %select_n3A_725, %add3A_728 : vector<16xi32>
          %gather3A_730 = arith.constant 0 : i32
          %gather3A_731 = arith.constant 0 : i32
          %gather3A_732 = tpu.memref_slice %arg5[%select_n3A_154, %gather3A_730, %gather3A_731] : memref<4x32x128xf32, #tpu.memory_space<vmem>> -> memref<1x32x128xf32, #tpu.memory_space<vmem>>
          %gather3A_733 = tpu.memref_squeeze %gather3A_732 : memref<1x32x128xf32, #tpu.memory_space<vmem>> -> memref<32x128xf32, #tpu.memory_space<vmem>>
          %gather3A_734 = tpu.vector_load_idx %gather3A_733[%add3A_729, %add3A_242] : memref<32x128xf32, #tpu.memory_space<vmem>>[vector<16xi32>, vector<16xi32>], vector<16xf32>,
          %add3A_735 = arith.addi %mul3A_298, %add3A_729 : vector<16xi32>
          %scatter3A_736 = arith.constant 0 : i32
          %scatter3A_737 = arith.constant 0 : i32
          %scatter3A_738 = tpu.memref_slice %arg6[%select_n3A_154, %scatter3A_736, %scatter3A_737] : memref<4x32x128xf32, #tpu.memory_space<vmem>> -> memref<1x32x128xf32, #tpu.memory_space<vmem>>
          %scatter3A_739 = tpu.memref_squeeze %scatter3A_738 : memref<1x32x128xf32, #tpu.memory_space<vmem>> -> memref<32x128xf32, #tpu.memory_space<vmem>>
          tpu.vector_store_idx %scatter3A_739[%select_n3A_273, %add3A_735], %gather3A_734 : memref<32x128xf32, #tpu.memory_space<vmem>>[vector<16xi32>, vector<16xi32>], vector<16xf32>,
          %add3A_740 = arith.constant 1 : i32
          %add3A_741 = vector.broadcast %add3A_740 : i32 to vector<16xi32>
          %add3A_742 = arith.addi %add3A_729, %add3A_741 : vector<16xi32>
          %jit3A_743 = arith.constant 16 : i32
          %eq3A_744 = arith.constant 0 : i32
          %eq3A_745 = arith.cmpi eq, %jit3A_743, %eq3A_744 : i32
          %jit3A_746 = arith.constant 1 : i32
          %select_n3A_747 = arith.select %eq3A_745, %jit3A_746, %jit3A_743 : i32
          %rem3A_748 = vector.broadcast %select_n3A_747 : i32 to vector<16xi32>
          %rem3A_749 = arith.remsi %add3A_742, %rem3A_748 : vector<16xi32>
          %ne3A_750 = arith.constant 0 : i32
          %ne3A_751 = vector.broadcast %ne3A_750 : i32 to vector<16xi32>
          %ne3A_752 = arith.cmpi ne, %rem3A_749, %ne3A_751 : vector<16xi32>
          %lt3A_753 = arith.constant 0 : i32
          %lt3A_754 = vector.broadcast %lt3A_753 : i32 to vector<16xi32>
          %lt3A_755 = arith.cmpi slt, %rem3A_749, %lt3A_754 : vector<16xi32>
          %lt3A_756 = arith.constant 0 : i32
          %lt3A_757 = arith.cmpi slt, %select_n3A_747, %lt3A_756 : i32
          %ne3A_758 = vector.broadcast %lt3A_757 : i1 to vector<16xi1>
          %ne3A_759 = vector.broadcast %ne3A_758 : vector<16xi1> to vector<16xi1>
          %ne3A_760 = arith.xori %lt3A_755, %ne3A_759 : vector<16xi1>
          %and3A_761 = arith.andi %ne3A_760, %ne3A_752 : vector<16xi1>
          %add3A_762 = vector.broadcast %select_n3A_747 : i32 to vector<16xi32>
          %add3A_763 = arith.addi %rem3A_749, %add3A_762 : vector<16xi32>
          %select_n3A_764 = arith.select %and3A_761, %add3A_763, %rem3A_749 : vector<16xi1>, vector<16xi32>
          %mul3A_765 = arith.constant 16 : i32
          %mul3A_766 = arith.muli %select_n3A_238, %mul3A_765 : i32
          %add3A_767 = vector.broadcast %mul3A_766 : i32 to vector<16xi32>
          %add3A_768 = arith.addi %select_n3A_764, %add3A_767 : vector<16xi32>
          %gather3A_769 = arith.constant 0 : i32
          %gather3A_770 = arith.constant 0 : i32
          %gather3A_771 = tpu.memref_slice %arg5[%select_n3A_154, %gather3A_769, %gather3A_770] : memref<4x32x128xf32, #tpu.memory_space<vmem>> -> memref<1x32x128xf32, #tpu.memory_space<vmem>>
          %gather3A_772 = tpu.memref_squeeze %gather3A_771 : memref<1x32x128xf32, #tpu.memory_space<vmem>> -> memref<32x128xf32, #tpu.memory_space<vmem>>
          %gather3A_773 = tpu.vector_load_idx %gather3A_772[%add3A_768, %add3A_242] : memref<32x128xf32, #tpu.memory_space<vmem>>[vector<16xi32>, vector<16xi32>], vector<16xf32>,
          %add3A_774 = arith.addi %mul3A_298, %add3A_768 : vector<16xi32>
          %scatter3A_775 = arith.constant 0 : i32
          %scatter3A_776 = arith.constant 0 : i32
          %scatter3A_777 = tpu.memref_slice %arg6[%select_n3A_154, %scatter3A_775, %scatter3A_776] : memref<4x32x128xf32, #tpu.memory_space<vmem>> -> memref<1x32x128xf32, #tpu.memory_space<vmem>>
          %scatter3A_778 = tpu.memref_squeeze %scatter3A_777 : memref<1x32x128xf32, #tpu.memory_space<vmem>> -> memref<32x128xf32, #tpu.memory_space<vmem>>
          tpu.vector_store_idx %scatter3A_778[%select_n3A_273, %add3A_774], %gather3A_773 : memref<32x128xf32, #tpu.memory_space<vmem>>[vector<16xi32>, vector<16xi32>], vector<16xf32>,
          %add3A_779 = arith.constant 1 : i32
          %add3A_780 = vector.broadcast %add3A_779 : i32 to vector<16xi32>
          %add3A_781 = arith.addi %add3A_768, %add3A_780 : vector<16xi32>
          %jit3A_782 = arith.constant 16 : i32
          %eq3A_783 = arith.constant 0 : i32
          %eq3A_784 = arith.cmpi eq, %jit3A_782, %eq3A_783 : i32
          %jit3A_785 = arith.constant 1 : i32
          %select_n3A_786 = arith.select %eq3A_784, %jit3A_785, %jit3A_782 : i32
          %rem3A_787 = vector.broadcast %select_n3A_786 : i32 to vector<16xi32>
          %rem3A_788 = arith.remsi %add3A_781, %rem3A_787 : vector<16xi32>
          %ne3A_789 = arith.constant 0 : i32
          %ne3A_790 = vector.broadcast %ne3A_789 : i32 to vector<16xi32>
          %ne3A_791 = arith.cmpi ne, %rem3A_788, %ne3A_790 : vector<16xi32>
          %lt3A_792 = arith.constant 0 : i32
          %lt3A_793 = vector.broadcast %lt3A_792 : i32 to vector<16xi32>
          %lt3A_794 = arith.cmpi slt, %rem3A_788, %lt3A_793 : vector<16xi32>
          %lt3A_795 = arith.constant 0 : i32
          %lt3A_796 = arith.cmpi slt, %select_n3A_786, %lt3A_795 : i32
          %ne3A_797 = vector.broadcast %lt3A_796 : i1 to vector<16xi1>
          %ne3A_798 = vector.broadcast %ne3A_797 : vector<16xi1> to vector<16xi1>
          %ne3A_799 = arith.xori %lt3A_794, %ne3A_798 : vector<16xi1>
          %and3A_800 = arith.andi %ne3A_799, %ne3A_791 : vector<16xi1>
          %add3A_801 = vector.broadcast %select_n3A_786 : i32 to vector<16xi32>
          %add3A_802 = arith.addi %rem3A_788, %add3A_801 : vector<16xi32>
          %select_n3A_803 = arith.select %and3A_800, %add3A_802, %rem3A_788 : vector<16xi1>, vector<16xi32>
          %mul3A_804 = arith.constant 16 : i32
          %mul3A_805 = arith.muli %select_n3A_238, %mul3A_804 : i32
          %add3A_806 = vector.broadcast %mul3A_805 : i32 to vector<16xi32>
          %add3A_807 = arith.addi %select_n3A_803, %add3A_806 : vector<16xi32>
          %gather3A_808 = arith.constant 0 : i32
          %gather3A_809 = arith.constant 0 : i32
          %gather3A_810 = tpu.memref_slice %arg5[%select_n3A_154, %gather3A_808, %gather3A_809] : memref<4x32x128xf32, #tpu.memory_space<vmem>> -> memref<1x32x128xf32, #tpu.memory_space<vmem>>
          %gather3A_811 = tpu.memref_squeeze %gather3A_810 : memref<1x32x128xf32, #tpu.memory_space<vmem>> -> memref<32x128xf32, #tpu.memory_space<vmem>>
          %gather3A_812 = tpu.vector_load_idx %gather3A_811[%add3A_807, %add3A_242] : memref<32x128xf32, #tpu.memory_space<vmem>>[vector<16xi32>, vector<16xi32>], vector<16xf32>,
          %add3A_813 = arith.addi %mul3A_298, %add3A_807 : vector<16xi32>
          %scatter3A_814 = arith.constant 0 : i32
          %scatter3A_815 = arith.constant 0 : i32
          %scatter3A_816 = tpu.memref_slice %arg6[%select_n3A_154, %scatter3A_814, %scatter3A_815] : memref<4x32x128xf32, #tpu.memory_space<vmem>> -> memref<1x32x128xf32, #tpu.memory_space<vmem>>
          %scatter3A_817 = tpu.memref_squeeze %scatter3A_816 : memref<1x32x128xf32, #tpu.memory_space<vmem>> -> memref<32x128xf32, #tpu.memory_space<vmem>>
          tpu.vector_store_idx %scatter3A_817[%select_n3A_273, %add3A_813], %gather3A_812 : memref<32x128xf32, #tpu.memory_space<vmem>>[vector<16xi32>, vector<16xi32>], vector<16xf32>,
          %add3A_818 = arith.constant 1 : i32
          %add3A_819 = vector.broadcast %add3A_818 : i32 to vector<16xi32>
          %add3A_820 = arith.addi %add3A_807, %add3A_819 : vector<16xi32>
          %jit3A_821 = arith.constant 16 : i32
          %eq3A_822 = arith.constant 0 : i32
          %eq3A_823 = arith.cmpi eq, %jit3A_821, %eq3A_822 : i32
          %jit3A_824 = arith.constant 1 : i32
          %select_n3A_825 = arith.select %eq3A_823, %jit3A_824, %jit3A_821 : i32
          %rem3A_826 = vector.broadcast %select_n3A_825 : i32 to vector<16xi32>
          %rem3A_827 = arith.remsi %add3A_820, %rem3A_826 : vector<16xi32>
          %ne3A_828 = arith.constant 0 : i32
          %ne3A_829 = vector.broadcast %ne3A_828 : i32 to vector<16xi32>
          %ne3A_830 = arith.cmpi ne, %rem3A_827, %ne3A_829 : vector<16xi32>
          %lt3A_831 = arith.constant 0 : i32
          %lt3A_832 = vector.broadcast %lt3A_831 : i32 to vector<16xi32>
          %lt3A_833 = arith.cmpi slt, %rem3A_827, %lt3A_832 : vector<16xi32>
          %lt3A_834 = arith.constant 0 : i32
          %lt3A_835 = arith.cmpi slt, %select_n3A_825, %lt3A_834 : i32
          %ne3A_836 = vector.broadcast %lt3A_835 : i1 to vector<16xi1>
          %ne3A_837 = vector.broadcast %ne3A_836 : vector<16xi1> to vector<16xi1>
          %ne3A_838 = arith.xori %lt3A_833, %ne3A_837 : vector<16xi1>
          %and3A_839 = arith.andi %ne3A_838, %ne3A_830 : vector<16xi1>
          %add3A_840 = vector.broadcast %select_n3A_825 : i32 to vector<16xi32>
          %add3A_841 = arith.addi %rem3A_827, %add3A_840 : vector<16xi32>
          %select_n3A_842 = arith.select %and3A_839, %add3A_841, %rem3A_827 : vector<16xi1>, vector<16xi32>
          %mul3A_843 = arith.constant 16 : i32
          %mul3A_844 = arith.muli %select_n3A_238, %mul3A_843 : i32
          %add3A_845 = vector.broadcast %mul3A_844 : i32 to vector<16xi32>
          %add3A_846 = arith.addi %select_n3A_842, %add3A_845 : vector<16xi32>
          %gather3A_847 = arith.constant 0 : i32
          %gather3A_848 = arith.constant 0 : i32
          %gather3A_849 = tpu.memref_slice %arg5[%select_n3A_154, %gather3A_847, %gather3A_848] : memref<4x32x128xf32, #tpu.memory_space<vmem>> -> memref<1x32x128xf32, #tpu.memory_space<vmem>>
          %gather3A_850 = tpu.memref_squeeze %gather3A_849 : memref<1x32x128xf32, #tpu.memory_space<vmem>> -> memref<32x128xf32, #tpu.memory_space<vmem>>
          %gather3A_851 = tpu.vector_load_idx %gather3A_850[%add3A_846, %add3A_242] : memref<32x128xf32, #tpu.memory_space<vmem>>[vector<16xi32>, vector<16xi32>], vector<16xf32>,
          %add3A_852 = arith.addi %mul3A_298, %add3A_846 : vector<16xi32>
          %scatter3A_853 = arith.constant 0 : i32
          %scatter3A_854 = arith.constant 0 : i32
          %scatter3A_855 = tpu.memref_slice %arg6[%select_n3A_154, %scatter3A_853, %scatter3A_854] : memref<4x32x128xf32, #tpu.memory_space<vmem>> -> memref<1x32x128xf32, #tpu.memory_space<vmem>>
          %scatter3A_856 = tpu.memref_squeeze %scatter3A_855 : memref<1x32x128xf32, #tpu.memory_space<vmem>> -> memref<32x128xf32, #tpu.memory_space<vmem>>
          tpu.vector_store_idx %scatter3A_856[%select_n3A_273, %add3A_852], %gather3A_851 : memref<32x128xf32, #tpu.memory_space<vmem>>[vector<16xi32>, vector<16xi32>], vector<16xf32>,
          %add3A_857 = arith.constant 1 : i32
          %add3A_858 = vector.broadcast %add3A_857 : i32 to vector<16xi32>
          %add3A_859 = arith.addi %add3A_846, %add3A_858 : vector<16xi32>
          %jit3A_860 = arith.constant 16 : i32
          %eq3A_861 = arith.constant 0 : i32
          %eq3A_862 = arith.cmpi eq, %jit3A_860, %eq3A_861 : i32
          %jit3A_863 = arith.constant 1 : i32
          %select_n3A_864 = arith.select %eq3A_862, %jit3A_863, %jit3A_860 : i32
          %rem3A_865 = vector.broadcast %select_n3A_864 : i32 to vector<16xi32>
          %rem3A_866 = arith.remsi %add3A_859, %rem3A_865 : vector<16xi32>
          %ne3A_867 = arith.constant 0 : i32
          %ne3A_868 = vector.broadcast %ne3A_867 : i32 to vector<16xi32>
          %ne3A_869 = arith.cmpi ne, %rem3A_866, %ne3A_868 : vector<16xi32>
          %lt3A_870 = arith.constant 0 : i32
          %lt3A_871 = vector.broadcast %lt3A_870 : i32 to vector<16xi32>
          %lt3A_872 = arith.cmpi slt, %rem3A_866, %lt3A_871 : vector<16xi32>
          %lt3A_873 = arith.constant 0 : i32
          %lt3A_874 = arith.cmpi slt, %select_n3A_864, %lt3A_873 : i32
          %ne3A_875 = vector.broadcast %lt3A_874 : i1 to vector<16xi1>
          %ne3A_876 = vector.broadcast %ne3A_875 : vector<16xi1> to vector<16xi1>
          %ne3A_877 = arith.xori %lt3A_872, %ne3A_876 : vector<16xi1>
          %and3A_878 = arith.andi %ne3A_877, %ne3A_869 : vector<16xi1>
          %add3A_879 = vector.broadcast %select_n3A_864 : i32 to vector<16xi32>
          %add3A_880 = arith.addi %rem3A_866, %add3A_879 : vector<16xi32>
          %select_n3A_881 = arith.select %and3A_878, %add3A_880, %rem3A_866 : vector<16xi1>, vector<16xi32>
          %mul3A_882 = arith.constant 16 : i32
          %mul3A_883 = arith.muli %select_n3A_238, %mul3A_882 : i32
          %add3A_884 = vector.broadcast %mul3A_883 : i32 to vector<16xi32>
          %add3A_885 = arith.addi %select_n3A_881, %add3A_884 : vector<16xi32>
          %gather3A_886 = arith.constant 0 : i32
          %gather3A_887 = arith.constant 0 : i32
          %gather3A_888 = tpu.memref_slice %arg5[%select_n3A_154, %gather3A_886, %gather3A_887] : memref<4x32x128xf32, #tpu.memory_space<vmem>> -> memref<1x32x128xf32, #tpu.memory_space<vmem>>
          %gather3A_889 = tpu.memref_squeeze %gather3A_888 : memref<1x32x128xf32, #tpu.memory_space<vmem>> -> memref<32x128xf32, #tpu.memory_space<vmem>>
          %gather3A_890 = tpu.vector_load_idx %gather3A_889[%add3A_885, %add3A_242] : memref<32x128xf32, #tpu.memory_space<vmem>>[vector<16xi32>, vector<16xi32>], vector<16xf32>,
          %add3A_891 = arith.addi %mul3A_298, %add3A_885 : vector<16xi32>
          %scatter3A_892 = arith.constant 0 : i32
          %scatter3A_893 = arith.constant 0 : i32
          %scatter3A_894 = tpu.memref_slice %arg6[%select_n3A_154, %scatter3A_892, %scatter3A_893] : memref<4x32x128xf32, #tpu.memory_space<vmem>> -> memref<1x32x128xf32, #tpu.memory_space<vmem>>
          %scatter3A_895 = tpu.memref_squeeze %scatter3A_894 : memref<1x32x128xf32, #tpu.memory_space<vmem>> -> memref<32x128xf32, #tpu.memory_space<vmem>>
          tpu.vector_store_idx %scatter3A_895[%select_n3A_273, %add3A_891], %gather3A_890 : memref<32x128xf32, #tpu.memory_space<vmem>>[vector<16xi32>, vector<16xi32>], vector<16xf32>,
          %add3A_896 = arith.constant 1 : i32
          %add3A_897 = vector.broadcast %add3A_896 : i32 to vector<16xi32>
          %add3A_898 = arith.addi %add3A_885, %add3A_897 : vector<16xi32>
          %jit3A_899 = arith.constant 16 : i32
          %eq3A_900 = arith.constant 0 : i32
          %eq3A_901 = arith.cmpi eq, %jit3A_899, %eq3A_900 : i32
          %jit3A_902 = arith.constant 1 : i32
          %select_n3A_903 = arith.select %eq3A_901, %jit3A_902, %jit3A_899 : i32
          %rem3A_904 = vector.broadcast %select_n3A_903 : i32 to vector<16xi32>
          %rem3A_905 = arith.remsi %add3A_898, %rem3A_904 : vector<16xi32>
          %ne3A_906 = arith.constant 0 : i32
          %ne3A_907 = vector.broadcast %ne3A_906 : i32 to vector<16xi32>
          %ne3A_908 = arith.cmpi ne, %rem3A_905, %ne3A_907 : vector<16xi32>
          %lt3A_909 = arith.constant 0 : i32
          %lt3A_910 = vector.broadcast %lt3A_909 : i32 to vector<16xi32>
          %lt3A_911 = arith.cmpi slt, %rem3A_905, %lt3A_910 : vector<16xi32>
          %lt3A_912 = arith.constant 0 : i32
          %lt3A_913 = arith.cmpi slt, %select_n3A_903, %lt3A_912 : i32
          %ne3A_914 = vector.broadcast %lt3A_913 : i1 to vector<16xi1>
          %ne3A_915 = vector.broadcast %ne3A_914 : vector<16xi1> to vector<16xi1>
          %ne3A_916 = arith.xori %lt3A_911, %ne3A_915 : vector<16xi1>
          %and3A_917 = arith.andi %ne3A_916, %ne3A_908 : vector<16xi1>
          %add3A_918 = vector.broadcast %select_n3A_903 : i32 to vector<16xi32>
          %add3A_919 = arith.addi %rem3A_905, %add3A_918 : vector<16xi32>
          %select_n3A_920 = arith.select %and3A_917, %add3A_919, %rem3A_905 : vector<16xi1>, vector<16xi32>
          %mul3A_921 = arith.constant 16 : i32
          %mul3A_922 = arith.muli %select_n3A_238, %mul3A_921 : i32
          %add3A_923 = vector.broadcast %mul3A_922 : i32 to vector<16xi32>
          %add3A_924 = arith.addi %select_n3A_920, %add3A_923 : vector<16xi32>
        }
        %scan3A_180 = arith.constant 16 : i32
        %mul3A_181 = arith.constant 32 : i32
        %mul3A_182 = arith.muli %add3A_142, %mul3A_181 : i32
        %dma_start3A_183 = arith.constant 0 : i32
        %dma_start3A_184 = arith.constant 0 : i32
        %dma_start3A_185 = tpu.memref_slice %arg6[%select_n3A_154, %dma_start3A_183, %dma_start3A_184] : memref<4x32x128xf32, #tpu.memory_space<vmem>> -> memref<1x32x128xf32, #tpu.memory_space<vmem>>
        %dma_start3A_186 = tpu.memref_squeeze %dma_start3A_185 : memref<1x32x128xf32, #tpu.memory_space<vmem>> -> memref<32x128xf32, #tpu.memory_space<vmem>>
        %dma_start3A_187 = arith.constant 0 : i32
        %dma_start3A_188 = tpu.memref_slice %arg4[%mul3A_182, %dma_start3A_187] : memref<250016x128xf32, #tpu.memory_space<hbm>> -> memref<32x128xf32, #tpu.memory_space<hbm>>
        %dma_start3A_189 = tpu.memref_slice %arg8[%select_n3A_154] : memref<4x!tpu.dma_semaphore, #tpu.memory_space<semaphore_mem>> -> memref<1x!tpu.dma_semaphore, #tpu.memory_space<semaphore_mem>>
        %dma_start3A_190 = tpu.memref_squeeze %dma_start3A_189 : memref<1x!tpu.dma_semaphore, #tpu.memory_space<semaphore_mem>> -> memref<!tpu.dma_semaphore, #tpu.memory_space<semaphore_mem>>
        %dma_start3A_191 = arith.constant 0 : i32
        %dma_start3A_192 = tpu.memref_slice %arg4[%mul3A_182, %dma_start3A_191] : memref<250016x128xf32, #tpu.memory_space<hbm>> -> memref<32x128xf32, #tpu.memory_space<hbm>>
        %dma_start3A_193 = arith.constant 0 : i32
        %dma_start3A_194 = arith.constant 0 : i32
        %dma_start3A_195 = tpu.memref_slice %arg6[%select_n3A_154, %dma_start3A_193, %dma_start3A_194] : memref<4x32x128xf32, #tpu.memory_space<vmem>> -> memref<1x32x128xf32, #tpu.memory_space<vmem>>
        %dma_start3A_196 = tpu.memref_squeeze %dma_start3A_195 : memref<1x32x128xf32, #tpu.memory_space<vmem>> -> memref<32x128xf32, #tpu.memory_space<vmem>>
        tpu.enqueue_dma source(%dma_start3A_196 : memref<32x128xf32, #tpu.memory_space<vmem>>) target(%dma_start3A_192 : memref<32x128xf32, #tpu.memory_space<hbm>>) target_semaphore(%dma_start3A_190 : memref<!tpu.dma_semaphore, #tpu.memory_space<semaphore_mem>>)
      } else {
      }
    }
    %scan3A_63 = arith.constant 245 : i32
    %dma_wait3A = arith.constant 0 : i32
    %dma_wait3A_64 = arith.constant 0 : i32
    %dma_wait3A_65 = arith.constant 0 : i32
    %dma_wait3A_66 = arith.constant 0 : i32
    %dma_wait3A_67 = tpu.memref_slice %arg6[%dma_wait3A, %dma_wait3A_65, %dma_wait3A_66] : memref<4x32x128xf32, #tpu.memory_space<vmem>> -> memref<1x32x128xf32, #tpu.memory_space<vmem>>
    %dma_wait3A_68 = tpu.memref_squeeze %dma_wait3A_67 : memref<1x32x128xf32, #tpu.memory_space<vmem>> -> memref<32x128xf32, #tpu.memory_space<vmem>>
    %dma_wait3A_69 = arith.constant 0 : i32
    %dma_wait3A_70 = arith.constant 0 : i32
    %dma_wait3A_71 = tpu.memref_slice %arg4[%dma_wait3A_69, %dma_wait3A_70] : memref<250016x128xf32, #tpu.memory_space<hbm>> -> memref<32x128xf32, #tpu.memory_space<hbm>>
    %dma_wait3A_72 = tpu.memref_slice %arg8[%dma_wait3A_64] : memref<4x!tpu.dma_semaphore, #tpu.memory_space<semaphore_mem>> -> memref<1x!tpu.dma_semaphore, #tpu.memory_space<semaphore_mem>>
    %dma_wait3A_73 = tpu.memref_squeeze %dma_wait3A_72 : memref<1x!tpu.dma_semaphore, #tpu.memory_space<semaphore_mem>> -> memref<!tpu.dma_semaphore, #tpu.memory_space<semaphore_mem>>
    %dma_wait3A_74 = arith.constant 0 : i32
    %dma_wait3A_75 = arith.constant 0 : i32
    %dma_wait3A_76 = tpu.memref_slice %arg6[%dma_wait3A, %dma_wait3A_74, %dma_wait3A_75] : memref<4x32x128xf32, #tpu.memory_space<vmem>> -> memref<1x32x128xf32, #tpu.memory_space<vmem>>
    %dma_wait3A_77 = tpu.memref_squeeze %dma_wait3A_76 : memref<1x32x128xf32, #tpu.memory_space<vmem>> -> memref<32x128xf32, #tpu.memory_space<vmem>>
    %dma_wait3A_78 = arith.constant 0 : i32
    %dma_wait3A_79 = arith.constant 0 : i32
    %dma_wait3A_80 = tpu.memref_slice %arg4[%dma_wait3A_78, %dma_wait3A_79] : memref<250016x128xf32, #tpu.memory_space<hbm>> -> memref<32x128xf32, #tpu.memory_space<hbm>>
    tpu.wait_dma2 semaphore(%dma_wait3A_73 : memref<!tpu.dma_semaphore, #tpu.memory_space<semaphore_mem>>) src(%dma_wait3A_80 : memref<32x128xf32, #tpu.memory_space<hbm>>) dst(%dma_wait3A_77 : memref<32x128xf32, #tpu.memory_space<vmem>>)
    %dma_wait3A_81 = arith.constant 1 : i32
    %dma_wait3A_82 = arith.constant 1 : i32
    %dma_wait3A_83 = arith.constant 0 : i32
    %dma_wait3A_84 = arith.constant 0 : i32
    %dma_wait3A_85 = tpu.memref_slice %arg6[%dma_wait3A_81, %dma_wait3A_83, %dma_wait3A_84] : memref<4x32x128xf32, #tpu.memory_space<vmem>> -> memref<1x32x128xf32, #tpu.memory_space<vmem>>
    %dma_wait3A_86 = tpu.memref_squeeze %dma_wait3A_85 : memref<1x32x128xf32, #tpu.memory_space<vmem>> -> memref<32x128xf32, #tpu.memory_space<vmem>>
    %dma_wait3A_87 = arith.constant 0 : i32
    %dma_wait3A_88 = arith.constant 0 : i32
    %dma_wait3A_89 = tpu.memref_slice %arg4[%dma_wait3A_87, %dma_wait3A_88] : memref<250016x128xf32, #tpu.memory_space<hbm>> -> memref<32x128xf32, #tpu.memory_space<hbm>>
    %dma_wait3A_90 = tpu.memref_slice %arg8[%dma_wait3A_82] : memref<4x!tpu.dma_semaphore, #tpu.memory_space<semaphore_mem>> -> memref<1x!tpu.dma_semaphore, #tpu.memory_space<semaphore_mem>>
    %dma_wait3A_91 = tpu.memref_squeeze %dma_wait3A_90 : memref<1x!tpu.dma_semaphore, #tpu.memory_space<semaphore_mem>> -> memref<!tpu.dma_semaphore, #tpu.memory_space<semaphore_mem>>
    %dma_wait3A_92 = arith.constant 0 : i32
    %dma_wait3A_93 = arith.constant 0 : i32
    %dma_wait3A_94 = tpu.memref_slice %arg6[%dma_wait3A_81, %dma_wait3A_92, %dma_wait3A_93] : memref<4x32x128xf32, #tpu.memory_space<vmem>> -> memref<1x32x128xf32, #tpu.memory_space<vmem>>
    %dma_wait3A_95 = tpu.memref_squeeze %dma_wait3A_94 : memref<1x32x128xf32, #tpu.memory_space<vmem>> -> memref<32x128xf32, #tpu.memory_space<vmem>>
    %dma_wait3A_96 = arith.constant 0 : i32
    %dma_wait3A_97 = arith.constant 0 : i32
    %dma_wait3A_98 = tpu.memref_slice %arg4[%dma_wait3A_96, %dma_wait3A_97] : memref<250016x128xf32, #tpu.memory_space<hbm>> -> memref<32x128xf32, #tpu.memory_space<hbm>>
    tpu.wait_dma2 semaphore(%dma_wait3A_91 : memref<!tpu.dma_semaphore, #tpu.memory_space<semaphore_mem>>) src(%dma_wait3A_98 : memref<32x128xf32, #tpu.memory_space<hbm>>) dst(%dma_wait3A_95 : memref<32x128xf32, #tpu.memory_space<vmem>>)
    %dma_wait3A_99 = arith.constant 2 : i32
    %dma_wait3A_100 = arith.constant 2 : i32
    %dma_wait3A_101 = arith.constant 0 : i32
    %dma_wait3A_102 = arith.constant 0 : i32
    %dma_wait3A_103 = tpu.memref_slice %arg6[%dma_wait3A_99, %dma_wait3A_101, %dma_wait3A_102] : memref<4x32x128xf32, #tpu.memory_space<vmem>> -> memref<1x32x128xf32, #tpu.memory_space<vmem>>
    %dma_wait3A_104 = tpu.memref_squeeze %dma_wait3A_103 : memref<1x32x128xf32, #tpu.memory_space<vmem>> -> memref<32x128xf32, #tpu.memory_space<vmem>>
    %dma_wait3A_105 = arith.constant 0 : i32
    %dma_wait3A_106 = arith.constant 0 : i32
    %dma_wait3A_107 = tpu.memref_slice %arg4[%dma_wait3A_105, %dma_wait3A_106] : memref<250016x128xf32, #tpu.memory_space<hbm>> -> memref<32x128xf32, #tpu.memory_space<hbm>>
    %dma_wait3A_108 = tpu.memref_slice %arg8[%dma_wait3A_100] : memref<4x!tpu.dma_semaphore, #tpu.memory_space<semaphore_mem>> -> memref<1x!tpu.dma_semaphore, #tpu.memory_space<semaphore_mem>>
    %dma_wait3A_109 = tpu.memref_squeeze %dma_wait3A_108 : memref<1x!tpu.dma_semaphore, #tpu.memory_space<semaphore_mem>> -> memref<!tpu.dma_semaphore, #tpu.memory_space<semaphore_mem>>
    %dma_wait3A_110 = arith.constant 0 : i32
    %dma_wait3A_111 = arith.constant 0 : i32
    %dma_wait3A_112 = tpu.memref_slice %arg6[%dma_wait3A_99, %dma_wait3A_110, %dma_wait3A_111] : memref<4x32x128xf32, #tpu.memory_space<vmem>> -> memref<1x32x128xf32, #tpu.memory_space<vmem>>
    %dma_wait3A_113 = tpu.memref_squeeze %dma_wait3A_112 : memref<1x32x128xf32, #tpu.memory_space<vmem>> -> memref<32x128xf32, #tpu.memory_space<vmem>>
    %dma_wait3A_114 = arith.constant 0 : i32
    %dma_wait3A_115 = arith.constant 0 : i32
    %dma_wait3A_116 = tpu.memref_slice %arg4[%dma_wait3A_114, %dma_wait3A_115] : memref<250016x128xf32, #tpu.memory_space<hbm>> -> memref<32x128xf32, #tpu.memory_space<hbm>>
    tpu.wait_dma2 semaphore(%dma_wait3A_109 : memref<!tpu.dma_semaphore, #tpu.memory_space<semaphore_mem>>) src(%dma_wait3A_116 : memref<32x128xf32, #tpu.memory_space<hbm>>) dst(%dma_wait3A_113 : memref<32x128xf32, #tpu.memory_space<vmem>>)
    %dma_wait3A_117 = arith.constant 3 : i32
    %dma_wait3A_118 = arith.constant 3 : i32
    %dma_wait3A_119 = arith.constant 0 : i32
    %dma_wait3A_120 = arith.constant 0 : i32
    %dma_wait3A_121 = tpu.memref_slice %arg6[%dma_wait3A_117, %dma_wait3A_119, %dma_wait3A_120] : memref<4x32x128xf32, #tpu.memory_space<vmem>> -> memref<1x32x128xf32, #tpu.memory_space<vmem>>
    %dma_wait3A_122 = tpu.memref_squeeze %dma_wait3A_121 : memref<1x32x128xf32, #tpu.memory_space<vmem>> -> memref<32x128xf32, #tpu.memory_space<vmem>>
    %dma_wait3A_123 = arith.constant 0 : i32
    %dma_wait3A_124 = arith.constant 0 : i32
    %dma_wait3A_125 = tpu.memref_slice %arg4[%dma_wait3A_123, %dma_wait3A_124] : memref<250016x128xf32, #tpu.memory_space<hbm>> -> memref<32x128xf32, #tpu.memory_space<hbm>>
    %dma_wait3A_126 = tpu.memref_slice %arg8[%dma_wait3A_118] : memref<4x!tpu.dma_semaphore, #tpu.memory_space<semaphore_mem>> -> memref<1x!tpu.dma_semaphore, #tpu.memory_space<semaphore_mem>>
    %dma_wait3A_127 = tpu.memref_squeeze %dma_wait3A_126 : memref<1x!tpu.dma_semaphore, #tpu.memory_space<semaphore_mem>> -> memref<!tpu.dma_semaphore, #tpu.memory_space<semaphore_mem>>
    %dma_wait3A_128 = arith.constant 0 : i32
    %dma_wait3A_129 = arith.constant 0 : i32
    %dma_wait3A_130 = tpu.memref_slice %arg6[%dma_wait3A_117, %dma_wait3A_128, %dma_wait3A_129] : memref<4x32x128xf32, #tpu.memory_space<vmem>> -> memref<1x32x128xf32, #tpu.memory_space<vmem>>
    %dma_wait3A_131 = tpu.memref_squeeze %dma_wait3A_130 : memref<1x32x128xf32, #tpu.memory_space<vmem>> -> memref<32x128xf32, #tpu.memory_space<vmem>>
    %dma_wait3A_132 = arith.constant 0 : i32
    %dma_wait3A_133 = arith.constant 0 : i32
    %dma_wait3A_134 = tpu.memref_slice %arg4[%dma_wait3A_132, %dma_wait3A_133] : memref<250016x128xf32, #tpu.memory_space<hbm>> -> memref<32x128xf32, #tpu.memory_space<hbm>>
    tpu.wait_dma2 semaphore(%dma_wait3A_127 : memref<!tpu.dma_semaphore, #tpu.memory_space<semaphore_mem>>) src(%dma_wait3A_134 : memref<32x128xf32, #tpu.memory_space<hbm>>) dst(%dma_wait3A_131 : memref<32x128xf32, #tpu.memory_space<vmem>>)
    return
  }
}

</mosaic_0001>

<sc_bundles>
// kernel: _retile.3.cloned.1.call-start
scs
__scs_entry_jumppad:
0x0: {  	(pc) =	sbr.rel $0x88, $3  }
0x1: {  	(tag) =	ssettag $0x0;
	lr =	simm.s32 $0x1  }
0x2: {  	[smem:$0x3F9F] =	sst lr;
	_ =	strace $0xD0000000  }
0x3: {  	_ = 	snop  }
0x4: {  	_ = 	snop  }
0x5: {  	_ = 	snop  }
0x6: {  	_ = 	snop  }
0x7: {  	_ = 	snop  }
__scs_overlays_trampoline_lowered:
0x8: {  	[smem:$0x3FAE] =	sst s0  }
0x9: {  	[smem:$0x3FAF] =	sst s1  }
0xa: {  	[smem:$0x3FB0] =	sst s2  }
0xb: {  	[smem:$0x3FB1] =	sst s3  }
0xc: {  	[smem:$0x3FB2] =	sst s4  }
0xd: {  	[smem:$0x3FB3] =	sst s5  }
0xe: {  	[smem:$0x3FB4] =	sst s6  }
0xf: {  	[smem:$0x3FB5] =	sst s7  }
0x10: {  	[smem:$0x3FB6] =	sst s8  }
0x11: {  	[smem:$0x3FB7] =	sst s9;
	s0 =	simm.s32 @!p0 $0x0  }
0x12: {  	s1 =	sld [smem:$0x3F9D];
	s0 =	simm.s32 @p0 $0x1  }
0x13: {  	[smem:$0x3FB8] =	sst s0;
	s0 =	simm.s32 @!p1 $0x0  }
0x14: {  	s2 =	sld [smem:$0x3F9C];
	s0 =	simm.s32 @p1 $0x1  }
0x15: {  	[smem:$0x3FB9] =	sst s0;
	s0 =	simm.s32 @!p2 $0x0  }
0x16: {  	s3 =	sld [smem:$0x3FDB];
	s0 =	simm.s32 @p2 $0x1  }
0x17: {  	s4 =	simm.s32 $0x1BF5;
	[smem:$0x3FBB] =	sst s0  }
0x18: {  	s0 =	sld [smem:$0x3F9E];
	_ =	swait.ge [sflag:s4], $0x0  }
0x19: {  	s7 =	sld [smem:$0x3F9F]  }
0x1a: {  	s8 =	sadd.s32 $0xFFFFE003, lr  }
0x1b: {  	s9 =	sadd.s32 $0xFFFFFEF7, lr;
	s5 =	simm.s32 $0xFFFFFFFF;
	p2 =	slt.u32 s8, $0xFFFFF086  }
0x1c: {  	p1 =	slt.u32 s9, $0xF7A;
	s5 =	simm.s32 @!p2 $0x0  }
0x1d: {  	s5 =	simm.s32 @p1 $0x1;
	p0 =	seq.s32 s7, s2  }
0x1e: {  	s7 =	smul.u32 @!p0 $0xF7A, s2;
	p2 =	seq.s32 @!p0 s5, $0x0  }
0x1f: {  	s9 =	smul.u32 $0xF7A, s1;
	s8 =	simm.s32 @!p0 $0x1BF5;
	p2 =	por !p2, p0  }
0x20: {  	[sflag:s8] =	ssyncset.s32 @!p0 $0xFFFFF086;
	s6 =	sadd.s32 @!p0 s3, s7;
	s7 =	simm.s32 @!p0 $0x108  }
0x21: {  	s3 =	sadd.s32 s3, s9;
	s6 =	sadd.s32 @!p0 $0x88, s6;
	s7 =	simm.s32 @p2 $0x1082  }
0x22: {  	[simem:s7], [sflag:s8] =	dma.local @!p0 [hbm:s6], $0xF7A  }
0x23: {  	s9 =	sor.u32 $0xD0000000, s2;
	s6 =	simm.s32 $0x108;
	_ =	swait.ge @!p0 [sflag:s8], $0x0  }
0x24: {  	s3 =	sadd.s32 $0x88, s3;
	s6 =	simm.s32 @!p1 $0x1082;
	[sflag:s4] =	ssyncset.s32 $0xFFFFF086  }
0x25: {  	[simem:s6], [sflag:s4] =	dma.local [hbm:s3], $0xF7A  }
0x26: {  	[smem:$0x3F9F] =	sst s1;
	(tag) =	ssettag s2;
	_ =	strace s9  }
0x27: {  	s1 =	sld [smem:$0x3FAF]  }
0x28: {  	s2 =	sld [smem:$0x3FB0]  }
0x29: {  	s4 =	sld [smem:$0x3FB2]  }
0x2a: {  	p0 =	seq.s32 s5, $0x0;
	s5 =	sld [smem:$0x3FB3]  }
0x2b: {  	s6 =	sld [smem:$0x3FB4]  }
0x2c: {  	s7 =	sld [smem:$0x3FB5]  }
0x2d: {  	s3 =	simm.s32 $0x108;
	s8 =	sld [smem:$0x3FB6]  }
0x2e: {  	s3 =	simm.s32 @!p0 $0x1082;
	s9 =	sld [smem:$0x3FB7]  }
0x2f: {  	lr =	sadd.s32 s0, s3;
	s0 =	sld [smem:$0x3FAE]  }
0x30: {  	s3 =	sld [smem:$0x3FB1]  }
0x31: {  	[smem:$0x3FBA] =	sst s10  }
0x32: {  	s10 =	sld [smem:$0x3FB8];
	_ =	sdelay $0x3  }
0x33: {  	p0 =	seq.s32 s10, $0x1;
	s10 =	sld [smem:$0x3FBA];
	_ =	sdelay $0x3  }
0x34: {  	[smem:$0x3FBA] =	sst s10  }
0x35: {  	s10 =	sld [smem:$0x3FB9];
	_ =	sdelay $0x3  }
0x36: {  	p1 =	seq.s32 s10, $0x1;
	s10 =	sld [smem:$0x3FBA];
	_ =	sdelay $0x3  }
0x37: {  	[smem:$0x3FBA] =	sst s10  }
0x38: {  	s10 =	sld [smem:$0x3FBB]  }
0x39: {  	_ = 	snop;
	(pc) =	sbr.ind lr, $3  }
0x3a: {  	_ = 	snop  }
0x3b: {  	_ = 	snop  }
0x3c: {  	p2 =	seq.s32 s10, $0x1;
	s10 =	sld [smem:$0x3FBA]  }
0x3d: {  	_ =	shalt  }
0x3e: {  	_ =	shalt  }
0x3f: {  	_ =	shalt  }
0x40: {  	_ =	shalt  }
0x41: {  	_ =	shalt  }
0x42: {  	_ =	shalt  }
0x43: {  	_ =	shalt  }
0x44: {  	_ =	shalt  }
0x45: {  	_ =	shalt  }
0x46: {  	_ =	shalt  }
0x47: {  	_ =	shalt  }
0x48: {  	_ =	shalt  }
0x49: {  	_ =	shalt  }
0x4a: {  	_ =	shalt  }
0x4b: {  	_ =	shalt  }
0x4c: {  	_ =	shalt  }
0x4d: {  	_ =	shalt  }
0x4e: {  	_ =	shalt  }
0x4f: {  	_ =	shalt  }
0x50: {  	_ =	shalt  }
0x51: {  	_ =	shalt  }
0x52: {  	_ =	shalt  }
0x53: {  	_ =	shalt  }
0x54: {  	_ =	shalt  }
0x55: {  	_ =	shalt  }
0x56: {  	_ =	shalt  }
0x57: {  	_ =	shalt  }
0x58: {  	_ =	shalt  }
0x59: {  	_ =	shalt  }
0x5a: {  	_ =	shalt  }
0x5b: {  	_ =	shalt  }
0x5c: {  	_ =	shalt  }
0x5d: {  	_ =	shalt  }
0x5e: {  	_ =	shalt  }
0x5f: {  	_ =	shalt  }
0x60: {  	_ =	shalt  }
0x61: {  	_ =	shalt  }
0x62: {  	_ =	shalt  }
0x63: {  	_ =	shalt  }
0x64: {  	_ =	shalt  }
0x65: {  	_ =	shalt  }
0x66: {  	_ =	shalt  }
0x67: {  	_ =	shalt  }
0x68: {  	_ =	shalt  }
0x69: {  	_ =	shalt  }
0x6a: {  	_ =	shalt  }
0x6b: {  	_ =	shalt  }
0x6c: {  	_ =	shalt  }
0x6d: {  	_ =	shalt  }
0x6e: {  	_ =	shalt  }
0x6f: {  	_ =	shalt  }
0x70: {  	_ =	shalt  }
0x71: {  	_ =	shalt  }
0x72: {  	_ =	shalt  }
0x73: {  	_ =	shalt  }
0x74: {  	_ =	shalt  }
0x75: {  	_ =	shalt  }
0x76: {  	_ =	shalt  }
0x77: {  	_ =	shalt  }
0x78: {  	_ =	shalt  }
0x79: {  	_ =	shalt  }
0x7a: {  	_ =	shalt  }
0x7b: {  	_ =	shalt  }
0x7c: {  	_ =	shalt  }
0x7d: {  	_ =	shalt  }
0x7e: {  	_ =	shalt  }
0x7f: {  	_ =	shalt  }
0x80: {  	_ =	shalt  }
0x81: {  	_ =	shalt  }
0x82: {  	_ =	shalt  }
0x83: {  	_ =	shalt  }
0x84: {  	_ =	shalt  }
0x85: {  	_ =	shalt  }
0x86: {  	_ =	shalt  }
0x87: {  	_ =	shalt  }
.Lfunc_end0:
.L_simem_size_0:
called_computation_lowered:
.L_overlay_start_0:
0x88: {  	s2 =	sld [smem:$0x3FD9]  }
0x89: {  	s3 =	sld [smem:$0x3FFE];
	_ =	sdelay $0x1  }
0x8a: {  	s1 =	srdreg.scid  }
0x8b: {  	s0 =	sand.u32 $0x1, s1  }
0x8c: {  	s18 =	sshll.u32 s0, $0xA;
	s2 =	sadd.s32 s3, s2  }
0x8d: {  	s2 =	sadd.s32 s2, s18  }
0x8e: {  	[smem:$0x3FC6] =	sst s2  }
0x8f: {  	_ = 	snop  }
0x90: {  	s2 =	sld [smem:$0x3FC9]  }
0x91: {  	s19 =	sld [smem:$0x3FC8]  }
0x92: {  	s4 =	sld [smem:$0x3FD0];
	(tm) =	ssettm $0x1  }
0x93: {  	s5 =	sld [smem:$0x3FFB];
	_ =	sdelay $0x3  }
0x94: {  	_ =	strace s5  }
0x95: {  	s5 =	sld [smem:$0x3FFC];
	_ =	sdelay $0x3  }
0x96: {  	_ =	strace s5  }
0x97: {  	s5 =	sld [smem:$0x3FFD];
	_ =	sdelay $0x3  }
0x98: {  	_ =	strace s5  }
0x99: {  	_ =	strace $0x8FFFFFFF  }
0x9a: {  	s20 =	sld [smem:$0x3FDB];
	_ =	sdelay $0x1  }
0x9b: {  	s6 =	simm.s32 $_scs_section_size  }
0x9c: {  	s7 =	simm.s32 $_size__tile_overlayer_lowered;
	s8 =	simm.s32 $_tile_overlayer_lowered  }
0x9d: {  	s23 =	simm.s32 $0x1BFF;
	s22 =	sshll.u32 s8, $0x1;
	s5 =	sadd.s32 s6, s20  }
0x9e: {  	s9 =	simm.s32 $0x0;
	s21 =	sshll.u32 s7, $0x1;
	s7 =	sadd.s32 s22, s5  }
0x9f: {  	[timem:s9], [sflag:s23] =	dma.local [hbm:s7], s21  }
0xa0: {  	_ =	swait.ge [sflag:s23], s21  }
0xa1: {  	s6 =	ssub.s32 $0x0, s21;
	[sflag:s23] =	ssyncset.done $0x0  }
0xa2: {  	[sflag:s23] =	ssyncadd.s32 s6;
	_ =	sdelay $0x1  }
0xa3: {  	s24 =	simm.s32 $0x1B8B  }
0xa4: {  	_ =	swait.ge [sflag:s24], $0x1  }
0xa5: {  	[sflag:s24] =	ssyncset.done $0x0  }
0xa6: {  	s25 =	simm.s32 $0x1B8E;
	[sflag:s24] =	ssyncadd.s32 $0xFFFFFFFF  }
0xa7: {  	s26 =	simm.s32 $execute0_lowered;
	[smem:$0x3FD2] =	sst s25  }
0xa8: {  	s6 =	sshll.u32 s26, $0x1;
	_ =	strace $0x80000046;
	[dreg:$0x1] =	wrdreg $0xFFFFFFFF  }
0xa9: {  	s28 =	simm.s32 $_size_execute0_lowered;
	s5 =	sadd.s32 s5, s6;
	[dreg:$0x0] =	wrdreg $0x0  }
0xaa: {  	s6 =	sshll.u32 s28, $0x1;
	[dreg:$0x2] =	wrdreg s5  }
0xab: {  	[dreg:$0x3] =	wrdreg s6  }
0xac: {  	[dreg:$0x4] =	wrdreg $0xC0  }
0xad: {  	_ =	task [dreg:s9], $0x5FFFF  }
0xae: {  	[dreg:$0x1] =	wrdreg $0xFFFFFFFF  }
0xaf: {  	[dreg:$0x0] =	wrdreg $0x60  }
0xb0: {  	[dreg:$0x2] =	wrdreg s2  }
0xb1: {  	[dreg:$0x3] =	wrdreg s19  }
0xb2: {  	[dreg:$0x4] =	wrdreg s4  }
0xb3: {  	[dreg:$0x5] =	wrdreg $0x9  }
0xb4: {  	_ =	task.clear_ibuf [dreg:s9], $0x6FFFF;
	_ =	strace $0x90000046  }
0xb5: {  	s29 =	simm.s32 $0x9;
	_ =	strace $0x80000048  }
0xb6: {  	_ =	swait.ge [sflag:s29], $0x1  }
0xb7: {  	[sflag:s29] =	ssyncadd.s32 $0xFFFFFFFF  }
0xb8: {  	_ =	strace $0x90000048  }
0xb9: {  	_ =	sfence  }
0xba: {  	s30 =	sld [smem:$0x0];
	_ =	sdelay $0x2  }
0xbb: {  	s31 =	sshll.u32 s1, $0xD;
	s1 =	sshrl.u32 s1, $0x2  }
0xbc: {  	s3 =	sand.u32 $0x4000, s31;
	s1 =	sadd.s32 s1, s30  }
0xbd: {  	s0 =	sor.u32 s3, s0;
	s1 =	sshll.u32 s1, $0x11  }
0xbe: {  	s0 =	sor.u32 s1, s0  }
0xbf: {  	s0 =	sadd.s32 $0x8F2B, s0  }
0xc0: {  	[sflag:s0] =	ssyncadd.remote.s32 $0x1  }
0xc1: {  	_ =	sfence.sel $0xFFFF  }
0xc2: {  	[dreg:$0x0] =	wrdreg $0xFFFFFFFF;
	(pc) =	sbr.abs _section_cstart, $3  }
0xc3: {  	[dreg:$0x1] =	wrdreg $0xFFFFFFFF  }
0xc4: {  	_ =	task.clear_ibuf [dreg:s9], $0x2FFFF;
	_ =	strace $0x9FFFFFFF  }
0xc5: {  	(tm) =	ssettm $0x7FFFFFFF  }
tec
execute0_lowered:
.L_overlay_start_1:
0x0: {  	(tag) =	ssettag $0x1  }
0x1: {  	v0 =	vlaneseq.u32;
	vm0 =	vcmask $0x1F14;
	vm1 =	vcmask $0xF04  }
0x2: {  	v1 =	vimm.s32 $0x700;
	vm8 =	vcmask $0x300;
	vm9 =	vcmask $0x704  }
0x3: {  	vm10 =	vcmask $0xB08;
	vm11 =	vcmask $0xF0C;
	vm12 =	vcmask $0x1310  }
0x4: {  	vm13 =	vcmask $0x1714;
	vm7 =	vcmask $0x1B18;
	v3 =	vimm.s32 $0x680  }
0x5: {  	vm14 =	vcmask $0x1F1C;
	vm15 =	vcmask $0x2320;
	vm5 =	vcmask $0x2724  }
0x6: {  	vm6 =	vcmask $0x2B28;
	vm4 =	vcmask $0x2F2C;
	v4 =	vimm.s32 $0x600  }
0x7: {  	vm2 =	vcmask $0x3734;
	vm3 =	vcmask $0x3B38;
	v5 =	vimm.s32 $0x580  }
0x8: {  	v6 =	vimm.s32 $0x500;
	v7 =	vimm.s32 $0x480;
	v8 =	vimm.s32 $0x400  }
0x9: {  	v9 =	vimm.s32 $0x380;
	v10 =	vimm.s32 $0x300;
	v11 =	vimm.s32 $0x280  }
0xa: {  	v12 =	vimm.s32 $0x200;
	v13 =	vimm.s32 $0x180;
	v14 =	vimm.s32 $0x100  }
0xb: {  	v15 =	vimm.s32 $0x80;
	v17 =	vimm.s32 $0x6B4A2908;
	v18 =	vimm.s32 $0x63422100  }
0xc: {  	v20 =	vimm.s32 $0x67462504;
	v23 =	vimm.s32 $0x64432201;
	v26 =	vimm.s32 $0x61402F0E  }
0xd: {  	vm0 =	vmor vm1, vm0;
	vm1 =	vcmask $0x2F24;
	v1 =	vsel vm8, $0x780, v1  }
0xe: {  	v3 =	vsel vm8, $0x700, v3;
	v4 =	vsel vm8, $0x680, v4;
	v5 =	vsel vm8, $0x600, v5  }
0xf: {  	v6 =	vsel vm8, $0x580, v6;
	v7 =	vsel vm8, $0x500, v7;
	v8 =	vsel vm8, $0x480, v8  }
0x10: {  	v9 =	vsel vm8, $0x400, v9;
	v10 =	vsel vm8, $0x380, v10;
	v11 =	vsel vm8, $0x300, v11  }
0x11: {  	v12 =	vsel vm8, $0x280, v12;
	v13 =	vsel vm8, $0x200, v13;
	v14 =	vsel vm8, $0x180, v14  }
0x12: {  	v15 =	vsel vm8, $0x100, v15;
	v19 =	vunpack.c.0.s8.s32 v17;
	v17 =	vimm.s32 $0x6F4E2D0C  }
0x13: {  	v22 =	vunpack.c.0.s8.s32 v18;
	v20 =	vunpack.c.0.s8.s32 v20;
	v18 =	vimm.s32 $0x604F2E0D  }
0x14: {  	v23 =	vunpack.c.0.s8.s32 v23;
	v26 =	vunpack.c.0.s8.s32 v26;
	vm0 =	vmor vm0, vm1  }
0x15: {  	v1 =	vsel vm9, $0x0, v1;
	vm1 =	vcmask $0x3F34;
	v3 =	vsel vm9, $0x780, v3  }
0x16: {  	v4 =	vsel vm9, $0x700, v4;
	v5 =	vsel vm9, $0x680, v5;
	v6 =	vsel vm9, $0x600, v6  }
0x17: {  	v7 =	vsel vm9, $0x580, v7;
	v8 =	vsel vm9, $0x500, v8;
	v9 =	vsel vm9, $0x480, v9  }
0x18: {  	v10 =	vsel vm9, $0x400, v10;
	v11 =	vsel vm9, $0x380, v11;
	v12 =	vsel vm9, $0x300, v12  }
0x19: {  	v13 =	vsel vm9, $0x280, v13;
	v14 =	vsel vm9, $0x200, v14;
	v15 =	vsel vm9, $0x180, v15  }
0x1a: {  	v21 =	vunpack.c.0.s8.s32 v17;
	v17 =	vimm.s32 $0x6C4B2A09;
	v25 =	vunpack.c.0.s8.s32 v18  }
0x1b: {  	v18 =	vimm.s32 $0x6D4C2B0A;
	v1 =	vsel vm10, $0x80, v1;
	vm0 =	vmor vm0, vm1  }
0x1c: {  	v3 =	vsel vm10, $0x0, v3;
	vm1 =	vcmask $0x3330;
	v4 =	vsel vm10, $0x780, v4  }
0x1d: {  	v5 =	vsel vm10, $0x700, v5;
	v6 =	vsel vm10, $0x680, v6;
	v7 =	vsel vm10, $0x600, v7  }
0x1e: {  	v8 =	vsel vm10, $0x580, v8;
	v9 =	vsel vm10, $0x500, v9;
	v10 =	vsel vm10, $0x480, v10  }
0x1f: {  	v11 =	vsel vm10, $0x400, v11;
	v12 =	vsel vm10, $0x380, v12;
	v13 =	vsel vm10, $0x300, v13  }
0x20: {  	v14 =	vsel vm10, $0x280, v14;
	v15 =	vsel vm10, $0x200, v15;
	v24 =	vunpack.c.0.s8.s32 v17  }
0x21: {  	v17 =	vimm.s32 $0x68472605;
	v30 =	vunpack.c.0.s8.s32 v18;
	v18 =	vimm.s32 $0x6E4D2C0B  }
0x22: {  	v2 =	vsel vm11, $0x100, v1;
	v1 =	vimm.s32 $0x0;
	v3 =	vsel vm11, $0x80, v3  }
0x23: {  	v4 =	vsel vm11, $0x0, v4;
	v5 =	vsel vm11, $0x780, v5;
	v6 =	vsel vm11, $0x700, v6  }
0x24: {  	v7 =	vsel vm11, $0x680, v7;
	v8 =	vsel vm11, $0x600, v8;
	v9 =	vsel vm11, $0x580, v9  }
0x25: {  	v10 =	vsel vm11, $0x500, v10;
	v11 =	vsel vm11, $0x480, v11;
	v12 =	vsel vm11, $0x400, v12  }
0x26: {  	v13 =	vsel vm11, $0x380, v13;
	v14 =	vsel vm11, $0x300, v14;
	v15 =	vsel vm11, $0x280, v15  }
0x27: {  	v27 =	vunpack.c.0.s8.s32 v17;
	v17 =	vimm.s32 $0x65442302;
	v37 =	vunpack.c.0.s8.s32 v18  }
0x28: {  	v18 =	vimm.s32 $0x6A492807;
	v2 =	vsel vm12, $0x180, v2;
	v3 =	vsel vm12, $0x100, v3  }
0x29: {  	v4 =	vsel vm12, $0x80, v4;
	v5 =	vsel vm12, $0x0, v5;
	v6 =	vsel vm12, $0x780, v6  }
0x2a: {  	v7 =	vsel vm12, $0x700, v7;
	v8 =	vsel vm12, $0x680, v8;
	v9 =	vsel vm12, $0x600, v9  }
0x2b: {  	v10 =	vsel vm12, $0x580, v10;
	v11 =	vsel vm12, $0x500, v11;
	v12 =	vsel vm12, $0x480, v12  }
0x2c: {  	v13 =	vsel vm12, $0x400, v13;
	v14 =	vsel vm12, $0x380, v14;
	v15 =	vsel vm12, $0x300, v15  }
0x2d: {  	v16 =	vsel vm8, $0x80, v1;
	v35 =	vunpack.c.0.s8.s32 v17;
	v17 =	vimm.s32 $0x69482706  }
0x2e: {  	v41 =	vunpack.c.0.s8.s32 v18;
	v2 =	vsel vm13, $0x200, v2;
	v3 =	vsel vm13, $0x180, v3  }
0x2f: {  	v4 =	vsel vm13, $0x100, v4;
	v5 =	vsel vm13, $0x80, v5;
	v6 =	vsel vm13, $0x0, v6  }
0x30: {  	v7 =	vsel vm13, $0x780, v7;
	v8 =	vsel vm13, $0x700, v8;
	v9 =	vsel vm13, $0x680, v9  }
0x31: {  	v10 =	vsel vm13, $0x600, v10;
	v11 =	vsel vm13, $0x580, v11;
	v12 =	vsel vm13, $0x500, v12  }
0x32: {  	v13 =	vsel vm13, $0x480, v13;
	v14 =	vsel vm13, $0x400, v14;
	v15 =	vsel vm13, $0x380, v15  }
0x33: {  	v16 =	vsel vm9, $0x100, v16;
	v36 =	vunpack.c.0.s8.s32 v17;
	v17 =	vimm.s32 $0x6241200F  }
0x34: {  	v2 =	vsel vm7, $0x280, v2;
	v3 =	vsel vm7, $0x200, v3;
	v4 =	vsel vm7, $0x180, v4  }
0x35: {  	v5 =	vsel vm7, $0x100, v5;
	v6 =	vsel vm7, $0x80, v6;
	v7 =	vsel vm7, $0x0, v7  }
0x36: {  	v8 =	vsel vm7, $0x780, v8;
	v9 =	vsel vm7, $0x700, v9;
	v10 =	vsel vm7, $0x680, v10  }
0x37: {  	v11 =	vsel vm7, $0x600, v11;
	v12 =	vsel vm7, $0x580, v12;
	v13 =	vsel vm7, $0x500, v13  }
0x38: {  	v14 =	vsel vm7, $0x480, v14;
	v15 =	vsel vm7, $0x400, v15;
	v16 =	vsel vm10, $0x180, v16  }
0x39: {  	v38 =	vunpack.c.0.s8.s32 v17;
	v17 =	vimm.s32 $0x66452403;
	v2 =	vsel vm14, $0x300, v2  }
0x3a: {  	v3 =	vsel vm14, $0x280, v3;
	v4 =	vsel vm14, $0x200, v4;
	v5 =	vsel vm14, $0x180, v5  }
0x3b: {  	v6 =	vsel vm14, $0x100, v6;
	v7 =	vsel vm14, $0x80, v7;
	v8 =	vsel vm14, $0x0, v8  }
0x3c: {  	v9 =	vsel vm14, $0x780, v9;
	v10 =	vsel vm14, $0x700, v10;
	v11 =	vsel vm14, $0x680, v11  }
0x3d: {  	v12 =	vsel vm14, $0x600, v12;
	v13 =	vsel vm14, $0x580, v13;
	v14 =	vsel vm14, $0x500, v14  }
0x3e: {  	v15 =	vsel vm14, $0x480, v15;
	v16 =	vsel vm11, $0x200, v16;
	v40 =	vunpack.c.0.s8.s32 v17  }
0x3f: {  	v2 =	vsel vm15, $0x380, v2;
	v3 =	vsel vm15, $0x300, v3;
	v4 =	vsel vm15, $0x280, v4  }
0x40: {  	v5 =	vsel vm15, $0x200, v5;
	v6 =	vsel vm15, $0x180, v6;
	v7 =	vsel vm15, $0x100, v7  }
0x41: {  	v8 =	vsel vm15, $0x80, v8;
	v9 =	vsel vm15, $0x0, v9;
	v10 =	vsel vm15, $0x780, v10  }
0x42: {  	v11 =	vsel vm15, $0x700, v11;
	v12 =	vsel vm15, $0x680, v12;
	v13 =	vsel vm15, $0x600, v13  }
0x43: {  	v14 =	vsel vm15, $0x580, v14;
	v15 =	vsel vm15, $0x500, v15;
	v16 =	vsel vm12, $0x280, v16  }
0x44: {  	v2 =	vsel vm5, $0x400, v2;
	v3 =	vsel vm5, $0x380, v3;
	v4 =	vsel vm5, $0x300, v4  }
0x45: {  	v5 =	vsel vm5, $0x280, v5;
	v6 =	vsel vm5, $0x200, v6;
	v7 =	vsel vm5, $0x180, v7  }
0x46: {  	v8 =	vsel vm5, $0x100, v8;
	v9 =	vsel vm5, $0x80, v9;
	v10 =	vsel vm5, $0x0, v10  }
0x47: {  	v11 =	vsel vm5, $0x780, v11;
	v12 =	vsel vm5, $0x700, v12;
	v13 =	vsel vm5, $0x680, v13  }
0x48: {  	v14 =	vsel vm5, $0x600, v14;
	v15 =	vsel vm5, $0x580, v15;
	v16 =	vsel vm13, $0x300, v16  }
0x49: {  	v2 =	vsel vm6, $0x480, v2;
	v3 =	vsel vm6, $0x400, v3;
	v4 =	vsel vm6, $0x380, v4  }
0x4a: {  	v5 =	vsel vm6, $0x300, v5;
	v6 =	vsel vm6, $0x280, v6;
	v7 =	vsel vm6, $0x200, v7  }
0x4b: {  	v8 =	vsel vm6, $0x180, v8;
	v9 =	vsel vm6, $0x100, v9;
	v10 =	vsel vm6, $0x80, v10  }
0x4c: {  	v11 =	vsel vm6, $0x0, v11;
	v12 =	vsel vm6, $0x780, v12;
	v13 =	vsel vm6, $0x700, v13  }
0x4d: {  	v14 =	vsel vm6, $0x680, v14;
	v15 =	vsel vm6, $0x600, v15;
	v16 =	vsel vm7, $0x380, v16  }
0x4e: {  	v2 =	vsel vm4, $0x500, v2;
	v3 =	vsel vm4, $0x480, v3;
	v4 =	vsel vm4, $0x400, v4  }
0x4f: {  	v5 =	vsel vm4, $0x380, v5;
	v6 =	vsel vm4, $0x300, v6;
	v7 =	vsel vm4, $0x280, v7  }
0x50: {  	v8 =	vsel vm4, $0x200, v8;
	v9 =	vsel vm4, $0x180, v9;
	v10 =	vsel vm4, $0x100, v10  }
0x51: {  	v11 =	vsel vm4, $0x80, v11;
	v12 =	vsel vm4, $0x0, v12;
	v13 =	vsel vm4, $0x780, v13  }
0x52: {  	v14 =	vsel vm4, $0x700, v14;
	v15 =	vsel vm4, $0x680, v15;
	v16 =	vsel vm14, $0x400, v16  }
0x53: {  	v2 =	vsel vm1, $0x580, v2;
	v3 =	vsel vm1, $0x500, v3;
	v4 =	vsel vm1, $0x480, v4  }
0x54: {  	v5 =	vsel vm1, $0x400, v5;
	v6 =	vsel vm1, $0x380, v6;
	v7 =	vsel vm1, $0x300, v7  }
0x55: {  	v8 =	vsel vm1, $0x280, v8;
	v9 =	vsel vm1, $0x200, v9;
	v10 =	vsel vm1, $0x180, v10  }
0x56: {  	v11 =	vsel vm1, $0x100, v11;
	v12 =	vsel vm1, $0x80, v12;
	v13 =	vsel vm1, $0x0, v13  }
0x57: {  	v14 =	vsel vm1, $0x780, v14;
	v15 =	vsel vm1, $0x700, v15;
	v16 =	vsel vm15, $0x480, v16  }
0x58: {  	vm15 =	vcmask $0x1F10;
	v2 =	vsel vm2, $0x600, v2;
	v3 =	vsel vm2, $0x580, v3  }
0x59: {  	v4 =	vsel vm2, $0x500, v4;
	v5 =	vsel vm2, $0x480, v5;
	v6 =	vsel vm2, $0x400, v6  }
0x5a: {  	v7 =	vsel vm2, $0x380, v7;
	v8 =	vsel vm2, $0x300, v8;
	v9 =	vsel vm2, $0x280, v9  }
0x5b: {  	v10 =	vsel vm2, $0x200, v10;
	v11 =	vsel vm2, $0x180, v11;
	v12 =	vsel vm2, $0x100, v12  }
0x5c: {  	v13 =	vsel vm2, $0x80, v13;
	v14 =	vsel vm2, $0x0, v14;
	v15 =	vsel vm2, $0x780, v15  }
0x5d: {  	v16 =	vsel vm5, $0x500, v16;
	v28 =	vsel vm15, v21, v19;
	v29 =	vsel vm15, v20, v22  }
0x5e: {  	v32 =	vsel vm15, v25, v24;
	v33 =	vsel vm15, v27, v23;
	v34 =	vsel vm15, v26, v30  }
0x5f: {  	v39 =	vsel vm15, v36, v35;
	v42 =	vsel vm15, v38, v37;
	v43 =	vsel vm15, v22, v21  }
0x60: {  	v44 =	vsel vm15, v41, v40;
	v45 =	vsel vm15, v19, v20;
	v46 =	vsel vm15, v23, v25  }
0x61: {  	v47 =	vsel vm15, v24, v27;
	v22 =	vsel vm15, v35, v26;
	v23 =	vsel vm15, v30, v36  }
0x62: {  	s9 =	rddreg [dreg:$0x0];
	v24 =	vsel vm15, v40, v38;
	v25 =	vsel vm15, v37, v41;
	v2 =	vsel vm3, $0x680, v2  }
0x63: {  	s0 =	rddreg [dreg:$0x1];
	v3 =	vsel vm3, $0x600, v3;
	v4 =	vsel vm3, $0x580, v4;
	v5 =	vsel vm3, $0x500, v5  }
0x64: {  	s2 =	srdreg.scid;
	s1 =	stileid.u32;
	v6 =	vsel vm3, $0x480, v6;
	v7 =	vsel vm3, $0x400, v7;
	v8 =	vsel vm3, $0x380, v8  }
0x65: {  	s3 =	rddreg [dreg:$0x2];
	s5 =	simm.s32 $0x0;
	s11 =	simm.s32 $0x400;
	v9 =	vsel vm3, $0x300, v9;
	v10 =	vsel vm3, $0x280, v10;
	v11 =	vsel vm3, $0x200, v11  }
0x66: {  	s12 =	simm.s32 $0x7A1400;
	s13 =	simm.s32 $0x1000;
	s14 =	simm.s32 $0x2000;
	v12 =	vsel vm3, $0x180, v12;
	v13 =	vsel vm3, $0x100, v13;
	v17 =	vcombine.low v33, v32  }
0x67: {  	s15 =	simm.s32 $0x5;
	s16 =	simm.s32 $0x6;
	s17 =	simm.s32 $0x7;
	v14 =	vsel vm3, $0x80, v14;
	v18 =	vcombine.low v39, v34;
	v19 =	vcombine.low v44, v42  }
0x68: {  	s18 =	simm.s32 $0x8;
	s19 =	simm.s32 $0x0;
	s6 =	sand.u32 $0x1, s2;
	v15 =	vsel vm3, $0x0, v15;
	v20 =	vcombine.low v45, v43;
	v21 =	vcombine.low v47, v46  }
.Ltmp0:
0x69: {  	s4 =	sshll.u32 s1, $0x1;
	s2 =	rddreg [dreg:$0x3];
	v16 =	vsel vm6, $0x580, v16;
	v26 =	vcombine.low v23, v22;
	v27 =	vcombine.low v25, v24;
	(pc) =	sbr.rel .LBB2_1-.Ltmp0, $4  }
0x6a: {  	[smem:$0x7FF] =	sst s5;
	s4 =	sor.u32 s6, s4;
	s7 =	ssub.s32 $0x2, s6;
	v35 =	vcombine.low v46, v47;
	v31 =	vsel vm4, $0x600, v16;
	v16 =	vcombine.low v29, v28  }
0x6b: {  	_ =	strace $0x80000047;
	s31 =	sshll.u32 s4, $0x7;
	s8 =	sshrl.u32 s7, $0x1;
	v28 =	vcombine.low v28, v29;
	v29 =	vcombine.low v32, v33;
	v30 =	vsel vm1, $0x680, v31  }
0x6c: {  	s6 =	sadd.s32 s9, s31;
	s10 =	ssub.s32 s7, s8;
	s9 =	sadd.s32 $0x3000, s9;
	v32 =	vcombine.low v42, v44;
	v33 =	vmul.u32 $0x80, v0;
	v30 =	vsel vm2, $0x700, v30  }
0x6d: {  	s7 =	sadd.s32 $0x1000, s6;
	s8 =	sadd.s32 $0x2000, s6;
	s10 =	smax.u32 s10, $0x1;
	v31 =	vcombine.low v34, v39;
	v34 =	vcombine.low v43, v45;
	v30 =	vsel vm3, $0x780, v30  }
.LBB2_10:
0x6e: {  	_ =	swait.ge [sflag:s15], $0x1000  }
0x6f: {  	[sflag:s15] =	ssyncset.done $0x0  }
0x70: {  	[sflag:s15] =	ssyncadd.s32 $0xFFFFF000  }
0x71: {  	_ =	swait.ge [sflag:s16], $0x1000  }
0x72: {  	[sflag:s16] =	ssyncset.done $0x0  }
0x73: {  	s19 =	sadd.s32 $0x1, s19;
	[sflag:s16] =	ssyncadd.s32 $0xFFFFF000  }
0x74: {  	p0 =	sne.s32 s19, s10;
	_ =	swait.ge [sflag:s17], $0x1000  }
.Ltmp1:
0x75: {  	[sflag:s17] =	ssyncset.done $0x0;
	(pc) =	sbr.rel @!p0 .LBB2_11-.Ltmp1, $4  }
0x76: {  	[sflag:s17] =	ssyncadd.s32 $0xFFFFF000  }
0x77: {  	_ =	swait.ge [sflag:s18], $0x1000  }
0x78: {  	[sflag:s18] =	ssyncset.done $0x0  }
0x79: {  	[sflag:s18] =	ssyncadd.s32 $0xFFFFF000  }
.LBB2_1:
0x7a: {  	[tilespmem:s5], [sflag:$0x1] =	stream.strided.gather [hbm4b:s6+s11], $0x1000, s12, s11, $0x38;
	[tilespmem:$0x8000] =	vst v63  }
.Ltmp2:
0x7b: {  	_ = 	snop;
	(pc) =	sbr.rel .LBB2_2-.Ltmp2, $4  }
0x7c: {  	_ = 	snop  }
0x7d: {  	[tilespmem:s13], [sflag:$0x2] =	stream.strided.gather [hbm4b:s7+s11], $0x1000, s12, s11, $0x38;
	[tilespmem:$0x8000] =	vst v63  }
0x7e: {  	s20 =	simm.s32 $0x0  }
0x7f: {  	[tilespmem:s14], [sflag:$0x3] =	stream.strided.gather [hbm4b:s8+s11], $0x1000, s12, s11, $0x38;
	[tilespmem:$0x8000] =	vst v63  }
.LBB2_9:
0x80: {  	s20 =	sadd.s32 $0x1, s20  }
0x81: {  	p0 =	sne.s32 s20, $0xF5  }
.Ltmp3:
0x82: {  	_ = 	snop;
	(pc) =	sbr.rel @!p0 .LBB2_10-.Ltmp3, $1  }
0x83: {  	_ =	sdelay $0x3  }
.LBB2_2:
0x84: {  	s21 =	sshll.u32 s20, $0x5  }
0x85: {  	s21 =	sor.u32 s4, s21  }
0x86: {  	p0 =	sgt.u32 s21, $0x1E84  }
.Ltmp4:
0x87: {  	_ = 	snop;
	(pc) =	sbr.rel @p0 .LBB2_9-.Ltmp4, $1  }
0x88: {  	_ =	sdelay $0x3  }
0x89: {  	p0 =	sgt.u32 s21, $0x1E23  }
.Ltmp5:
0x8a: {  	_ = 	snop;
	(pc) =	sbr.rel @p0 .LBB2_5-.Ltmp5, $2  }
0x8b: {  	_ =	sdelay $0x2  }
0x8c: {  	s22 =	sand.u32 $0x3, s20  }
.Ltmp6:
0x8d: {  	s23 =	sadd.s32 $0xFFFFFFFF, s20;
	(pc) =	sbr.rel .LBB2_6-.Ltmp6, $4  }
0x8e: {  	s24 =	sshll.u32 s21, $0x7;
	s23 =	sand.u32 $0x3, s23  }
0x8f: {  	s24 =	sadd.s32 s24, s9;
	s25 =	sshll.u32 s23, $0xC;
	s23 =	sadd.s32 $0x1, s23  }
0x90: {  	[tilespmem:s25], [sflag:s23] =	stream.strided.gather [hbm4b:s24+s11], $0x1000, s12, s11, $0x38;
	[tilespmem:$0x8000] =	vst v63  }
0x91: {  	s23 =	sadd.s32 $0x1, s22  }
.LBB2_5:
0x92: {  	p0 =	seq.s32 s21, $0x1E84  }
0x93: {  	s23 =	sadd.s32 @!p0 $0x1, s22  }
0x94: {  	s23 =	sshll.u32 @p0 s22, $0xC  }
0x95: {  	[tilespmem:s23], [sflag:$0x9] =	stream.linear.gather @p0 [hbm4b:s0+s5], $0x1000, $0x38;
	[tilespmem:$0x8000] =	vst v63  }
0x96: {  	s23 =	simm.s32 @p0 $0x9  }
.LBB2_6:
0x97: {  	s24 =	simm.s32 $0x0  }
0x98: {  	s25 =	sand.u32 $0x10, s24  }
0x99: {  	s24 =	sand.u32 $0x70, s24;
	v36 =	vmov s25  }
0x9a: {  	v37 =	vmov s24;
	v39 =	vshll.u32 v36, $0x7  }
0x9b: {  	_ =	swait.ge [sflag:s23], $0x1000;
	v40 =	vor.u32 s24, v0;
	vm1 =	veq.s32 v37, v0;
	v36 =	vor.u32 v33, v39  }
0x9c: {  	p0 =	slt.u32 s20, $0x4;
	[sflag:s23] =	ssyncset.done $0x0;
	vm1 =	vmand vm1, vm0;
	v36 =	vor.u32 v40, v36  }
0x9d: {  	[sflag:s23] =	ssyncadd.s32 $0xFFFFF000;
	s23 =	sadd.s32 @!p0 $0x5, s22;
	v56 =	vshrl.u32 v40, $0x2;
	v38 =	vsel vm1, $0xFFFFFFFF, v1  }
0x9e: {  	_ =	swait.ge @!p0 [sflag:s23], $0x1000;
	v37 =	vadd.s32 v38, v56  }
0x9f: {  	[sflag:s23] =	ssyncset.done @!p0 $0x0;
	v37 =	vshll.u32 v37, $0x7  }
0xa0: {  	[sflag:s23] =	ssyncadd.s32 @!p0 $0xFFFFF000;
	s23 =	sshll.u32 s22, $0xC;
	v38 =	vor.u32 s25, v37  }
0xa1: {  	v41 =	vor.u32 v30, v39;
	v37 =	vor.u32 v16, v38;
	v36 =	vld.idx.msk [tilespmem:v36+s23+$0x0], $0xffff  }
0xa2: {  	v41 =	vor.u32 v40, v41;
	_ =	sdelay $0x2  }
0xa3: {  	s24 =	sor.u32 $0x4000, s23  }
0xa4: {  	[tilespmem:v37+s24+$0x0] =	vst.idx.msk $0xffff, v36  }
0xa5: {  	v58 =	vor.u32 v15, v39;
	v57 =	vor.u32 v17, v38;
	v36 =	vld.idx.msk [tilespmem:v41+s23+$0x0], $0xffff  }
0xa6: {  	v41 =	vor.u32 v40, v58;
	_ =	sdelay $0x3  }
0xa7: {  	[tilespmem:v57+s24+$0x0] =	vst.idx.msk $0xffff, v36  }
0xa8: {  	v60 =	vor.u32 v14, v39;
	v59 =	vor.u32 v18, v38;
	v36 =	vld.idx.msk [tilespmem:v41+s23+$0x0], $0xffff  }
0xa9: {  	v41 =	vor.u32 v40, v60;
	_ =	sdelay $0x3  }
0xaa: {  	[tilespmem:v59+s24+$0x0] =	vst.idx.msk $0xffff, v36  }
0xab: {  	v62 =	vor.u32 v13, v39;
	v61 =	vor.u32 v19, v38;
	v36 =	vld.idx.msk [tilespmem:v41+s23+$0x0], $0xffff  }
0xac: {  	v41 =	vor.u32 v40, v62;
	_ =	sdelay $0x3  }
0xad: {  	[tilespmem:v61+s24+$0x0] =	vst.idx.msk $0xffff, v36  }
0xae: {  	v44 =	vor.u32 v12, v39;
	v63 =	vor.u32 v20, v38;
	v36 =	vld.idx.msk [tilespmem:v41+s23+$0x0], $0xffff  }
0xaf: {  	v41 =	vor.u32 v40, v44;
	_ =	sdelay $0x3  }
0xb0: {  	[tilespmem:v63+s24+$0x0] =	vst.idx.msk $0xffff, v36  }
0xb1: {  	v46 =	vor.u32 v11, v39;
	v45 =	vor.u32 v21, v38;
	v36 =	vld.idx.msk [tilespmem:v41+s23+$0x0], $0xffff  }
0xb2: {  	v41 =	vor.u32 v40, v46;
	_ =	sdelay $0x3  }
0xb3: {  	[tilespmem:v45+s24+$0x0] =	vst.idx.msk $0xffff, v36  }
0xb4: {  	v48 =	vor.u32 v10, v39;
	v47 =	vor.u32 v26, v38;
	v36 =	vld.idx.msk [tilespmem:v41+s23+$0x0], $0xffff  }
0xb5: {  	v41 =	vor.u32 v40, v48;
	_ =	sdelay $0x3  }
0xb6: {  	[tilespmem:v47+s24+$0x0] =	vst.idx.msk $0xffff, v36  }
0xb7: {  	v50 =	vor.u32 v9, v39;
	v49 =	vor.u32 v27, v38;
	v36 =	vld.idx.msk [tilespmem:v41+s23+$0x0], $0xffff  }
0xb8: {  	v41 =	vor.u32 v40, v50;
	_ =	sdelay $0x3  }
0xb9: {  	[tilespmem:v49+s24+$0x0] =	vst.idx.msk $0xffff, v36  }
0xba: {  	v52 =	vor.u32 v8, v39;
	v51 =	vor.u32 v28, v38;
	v36 =	vld.idx.msk [tilespmem:v41+s23+$0x0], $0xffff  }
0xbb: {  	v41 =	vor.u32 v40, v52;
	_ =	sdelay $0x3  }
0xbc: {  	[tilespmem:v51+s24+$0x0] =	vst.idx.msk $0xffff, v36  }
0xbd: {  	v54 =	vor.u32 v7, v39;
	v53 =	vor.u32 v29, v38;
	v36 =	vld.idx.msk [tilespmem:v41+s23+$0x0], $0xffff  }
0xbe: {  	v41 =	vor.u32 v40, v54;
	_ =	sdelay $0x3  }
0xbf: {  	[tilespmem:v53+s24+$0x0] =	vst.idx.msk $0xffff, v36  }
0xc0: {  	v56 =	vor.u32 v6, v39;
	v55 =	vor.u32 v31, v38;
	v36 =	vld.idx.msk [tilespmem:v41+s23+$0x0], $0xffff  }
0xc1: {  	v41 =	vor.u32 v40, v56;
	_ =	sdelay $0x3  }
0xc2: {  	[tilespmem:v55+s24+$0x0] =	vst.idx.msk $0xffff, v36  }
0xc3: {  	v58 =	vor.u32 v5, v39;
	v57 =	vor.u32 v32, v38;
	v36 =	vld.idx.msk [tilespmem:v41+s23+$0x0], $0xffff  }
0xc4: {  	v41 =	vor.u32 v40, v58;
	_ =	sdelay $0x3  }
0xc5: {  	[tilespmem:v57+s24+$0x0] =	vst.idx.msk $0xffff, v36  }
0xc6: {  	v60 =	vor.u32 v4, v39;
	v59 =	vor.u32 v34, v38;
	v36 =	vld.idx.msk [tilespmem:v41+s23+$0x0], $0xffff  }
0xc7: {  	v41 =	vor.u32 v40, v60;
	_ =	sdelay $0x3  }
0xc8: {  	[tilespmem:v59+s24+$0x0] =	vst.idx.msk $0xffff, v36  }
0xc9: {  	v62 =	vor.u32 v3, v39;
	v61 =	vor.u32 v35, v38;
	v37 =	vld.idx.msk [tilespmem:v41+s23+$0x0], $0xffff  }
0xca: {  	v42 =	vor.u32 v40, v62;
	_ =	sdelay $0x2  }
0xcb: {  	v36 =	vcombine.low v22, v23  }
0xcc: {  	[tilespmem:v61+s24+$0x0] =	vst.idx.msk $0xffff, v37  }
0xcd: {  	v63 =	vor.u32 v2, v39;
	v41 =	vld.idx.msk [tilespmem:v42+s23+$0x0], $0xffff;
	v42 =	vor.u32 v36, v38  }
0xce: {  	v40 =	vor.u32 v40, v63;
	_ =	sdelay $0x1  }
0xcf: {  	s31 =	simm.s32 $0x10  }
0xd0: {  	s26 =	simm.s32 $0x20;
	s28 =	sand.u32 $0x10, s31;
	s25 =	simm.s32 $0x8  }
.LBB2_7:
0xd1: {  	p0 =	sne.s32 s26, $0xF0;
	s29 =	sand.u32 $0x70, s25;
	v39 =	vmov s28;
	[tilespmem:v42+s24+$0x0] =	vst.idx.msk $0xffff, v41;
	v37 =	vcombine.low v24, v25  }
0xd2: {  	v41 =	vmov s29;
	v39 =	vshll.u32 v39, $0x7;
	v42 =	vld.idx.msk [tilespmem:v40+s23+$0x0], $0xffff  }
0xd3: {  	v40 =	vor.u32 s29, v0;
	v43 =	vor.u32 v33, v39;
	v38 =	vor.u32 v37, v38  }
0xd4: {  	vm1 =	veq.s32 v41, v0;
	v41 =	vor.u32 v40, v43  }
0xd5: {  	vm1 =	vmand vm1, vm0  }
0xd6: {  	v43 =	vshrl.u32 v40, $0x2;
	v44 =	vsel vm1, $0xFFFFFFFF, v1  }
0xd7: {  	v43 =	vadd.s32 v44, v43  }
0xd8: {  	v43 =	vshll.u32 v43, $0x7;
	[tilespmem:v38+s24+$0x0] =	vst.idx.msk $0xffff, v42  }
0xd9: {  	v38 =	vor.u32 s28, v43;
	v41 =	vld.idx.msk [tilespmem:v41+s23+$0x0], $0xffff  }
0xda: {  	v43 =	vor.u32 v30, v39;
	v42 =	vor.u32 v16, v38  }
0xdb: {  	v43 =	vor.u32 v40, v43;
	_ =	sdelay $0x3  }
0xdc: {  	[tilespmem:v42+s24+$0x0] =	vst.idx.msk $0xffff, v41  }
0xdd: {  	v41 =	vld.idx.msk [tilespmem:v43+s23+$0x0], $0xffff  }
0xde: {  	v42 =	vor.u32 v17, v38;
	v43 =	vor.u32 v15, v39  }
0xdf: {  	v43 =	vor.u32 v40, v43;
	_ =	sdelay $0x3  }
0xe0: {  	[tilespmem:v42+s24+$0x0] =	vst.idx.msk $0xffff, v41  }
0xe1: {  	v41 =	vld.idx.msk [tilespmem:v43+s23+$0x0], $0xffff  }
0xe2: {  	v42 =	vor.u32 v18, v38;
	v43 =	vor.u32 v14, v39  }
0xe3: {  	v43 =	vor.u32 v40, v43;
	_ =	sdelay $0x3  }
0xe4: {  	[tilespmem:v42+s24+$0x0] =	vst.idx.msk $0xffff, v41  }
0xe5: {  	v41 =	vld.idx.msk [tilespmem:v43+s23+$0x0], $0xffff  }
0xe6: {  	v42 =	vor.u32 v19, v38;
	v43 =	vor.u32 v13, v39  }
0xe7: {  	v43 =	vor.u32 v40, v43;
	_ =	sdelay $0x3  }
0xe8: {  	[tilespmem:v42+s24+$0x0] =	vst.idx.msk $0xffff, v41  }
0xe9: {  	v41 =	vld.idx.msk [tilespmem:v43+s23+$0x0], $0xffff  }
0xea: {  	v42 =	vor.u32 v20, v38;
	v43 =	vor.u32 v12, v39  }
0xeb: {  	v43 =	vor.u32 v40, v43;
	_ =	sdelay $0x3  }
0xec: {  	[tilespmem:v42+s24+$0x0] =	vst.idx.msk $0xffff, v41  }
0xed: {  	v41 =	vld.idx.msk [tilespmem:v43+s23+$0x0], $0xffff  }
0xee: {  	v42 =	vor.u32 v21, v38;
	v43 =	vor.u32 v11, v39  }
0xef: {  	v43 =	vor.u32 v40, v43;
	_ =	sdelay $0x3  }
0xf0: {  	[tilespmem:v42+s24+$0x0] =	vst.idx.msk $0xffff, v41  }
0xf1: {  	v41 =	vld.idx.msk [tilespmem:v43+s23+$0x0], $0xffff  }
0xf2: {  	v42 =	vor.u32 v26, v38;
	v43 =	vor.u32 v10, v39  }
0xf3: {  	v43 =	vor.u32 v40, v43;
	_ =	sdelay $0x3  }
0xf4: {  	[tilespmem:v42+s24+$0x0] =	vst.idx.msk $0xffff, v41  }
0xf5: {  	v41 =	vld.idx.msk [tilespmem:v43+s23+$0x0], $0xffff  }
0xf6: {  	v42 =	vor.u32 v27, v38;
	v43 =	vor.u32 v9, v39  }
0xf7: {  	v43 =	vor.u32 v40, v43;
	_ =	sdelay $0x3  }
0xf8: {  	[tilespmem:v42+s24+$0x0] =	vst.idx.msk $0xffff, v41  }
0xf9: {  	v41 =	vld.idx.msk [tilespmem:v43+s23+$0x0], $0xffff  }
0xfa: {  	v42 =	vor.u32 v28, v38;
	v43 =	vor.u32 v8, v39  }
0xfb: {  	v43 =	vor.u32 v40, v43;
	_ =	sdelay $0x3  }
0xfc: {  	[tilespmem:v42+s24+$0x0] =	vst.idx.msk $0xffff, v41  }
0xfd: {  	v41 =	vld.idx.msk [tilespmem:v43+s23+$0x0], $0xffff  }
0xfe: {  	v42 =	vor.u32 v29, v38;
	v43 =	vor.u32 v7, v39  }
0xff: {  	v43 =	vor.u32 v40, v43;
	_ =	sdelay $0x3  }
0x100: {  	[tilespmem:v42+s24+$0x0] =	vst.idx.msk $0xffff, v41  }
0x101: {  	v41 =	vld.idx.msk [tilespmem:v43+s23+$0x0], $0xffff  }
0x102: {  	v42 =	vor.u32 v31, v38;
	v43 =	vor.u32 v6, v39  }
0x103: {  	v43 =	vor.u32 v40, v43;
	_ =	sdelay $0x3  }
0x104: {  	[tilespmem:v42+s24+$0x0] =	vst.idx.msk $0xffff, v41  }
0x105: {  	v41 =	vld.idx.msk [tilespmem:v43+s23+$0x0], $0xffff  }
0x106: {  	v42 =	vor.u32 v32, v38;
	v43 =	vor.u32 v5, v39  }
0x107: {  	v43 =	vor.u32 v40, v43;
	_ =	sdelay $0x3  }
0x108: {  	[tilespmem:v42+s24+$0x0] =	vst.idx.msk $0xffff, v41  }
0x109: {  	v41 =	vld.idx.msk [tilespmem:v43+s23+$0x0], $0xffff  }
0x10a: {  	v42 =	vor.u32 v34, v38;
	v43 =	vor.u32 v4, v39  }
0x10b: {  	v43 =	vor.u32 v40, v43;
	_ =	sdelay $0x3  }
0x10c: {  	[tilespmem:v42+s24+$0x0] =	vst.idx.msk $0xffff, v41  }
0x10d: {  	v41 =	vld.idx.msk [tilespmem:v43+s23+$0x0], $0xffff  }
0x10e: {  	v42 =	vor.u32 v35, v38;
	v43 =	vor.u32 v3, v39  }
0x10f: {  	v43 =	vor.u32 v40, v43;
	_ =	sdelay $0x3  }
0x110: {  	[tilespmem:v42+s24+$0x0] =	vst.idx.msk $0xffff, v41  }
0x111: {  	v41 =	vld.idx.msk [tilespmem:v43+s23+$0x0], $0xffff  }
.Ltmp7:
0x112: {  	v39 =	vor.u32 v2, v39;
	v42 =	vor.u32 v36, v38;
	(pc) =	sbr.rel @p0 .LBB2_7-.Ltmp7, $2  }
0x113: {  	v40 =	vor.u32 v40, v39;
	_ =	sdelay $0x2  }
0x114: {  	s25 =	sadd.s32 $0x8, s25;
	s28 =	sand.u32 $0x10, s26;
	s26 =	sadd.s32 $0x10, s26  }
0x115: {  	_ =	sdelay $0x2  }
0x116: {  	s25 =	sand.u32 $0x70, s25;
	v39 =	vmov s28  }
0x117: {  	[tilespmem:v42+s24+$0x0] =	vst.idx.msk $0xffff, v41;
	v38 =	vor.u32 v37, v38;
	v51 =	vmov s25;
	v39 =	vshll.u32 v39, $0x7  }
0x118: {  	v42 =	vor.u32 s25, v0;
	v40 =	vld.idx.msk [tilespmem:v40+s23+$0x0], $0xffff;
	v43 =	vor.u32 v33, v39;
	vm1 =	veq.s32 v51, v0  }
0x119: {  	v52 =	vor.u32 v42, v43;
	vm1 =	vmand vm1, vm0  }
0x11a: {  	v53 =	vshrl.u32 v42, $0x2;
	v44 =	vsel vm1, $0xFFFFFFFF, v1  }
0x11b: {  	v43 =	vadd.s32 v44, v53  }
0x11c: {  	v43 =	vshll.u32 v43, $0x7  }
0x11d: {  	[tilespmem:v38+s24+$0x0] =	vst.idx.msk $0xffff, v40;
	v38 =	vor.u32 s28, v43  }
0x11e: {  	v55 =	vor.u32 v30, v39;
	v40 =	vld.idx.msk [tilespmem:v52+s23+$0x0], $0xffff;
	v54 =	vor.u32 v16, v38  }
0x11f: {  	v43 =	vor.u32 v42, v55;
	_ =	sdelay $0x3  }
0x120: {  	[tilespmem:v54+s24+$0x0] =	vst.idx.msk $0xffff, v40  }
0x121: {  	v57 =	vor.u32 v15, v39;
	v56 =	vor.u32 v17, v38;
	v40 =	vld.idx.msk [tilespmem:v43+s23+$0x0], $0xffff  }
0x122: {  	v43 =	vor.u32 v42, v57;
	_ =	sdelay $0x3  }
0x123: {  	[tilespmem:v56+s24+$0x0] =	vst.idx.msk $0xffff, v40  }
0x124: {  	v59 =	vor.u32 v14, v39;
	v58 =	vor.u32 v18, v38;
	v40 =	vld.idx.msk [tilespmem:v43+s23+$0x0], $0xffff  }
0x125: {  	v43 =	vor.u32 v42, v59;
	_ =	sdelay $0x3  }
0x126: {  	[tilespmem:v58+s24+$0x0] =	vst.idx.msk $0xffff, v40  }
0x127: {  	v61 =	vor.u32 v13, v39;
	v60 =	vor.u32 v19, v38;
	v40 =	vld.idx.msk [tilespmem:v43+s23+$0x0], $0xffff  }
0x128: {  	v43 =	vor.u32 v42, v61;
	_ =	sdelay $0x3  }
0x129: {  	[tilespmem:v60+s24+$0x0] =	vst.idx.msk $0xffff, v40  }
0x12a: {  	v63 =	vor.u32 v12, v39;
	v62 =	vor.u32 v20, v38;
	v40 =	vld.idx.msk [tilespmem:v43+s23+$0x0], $0xffff  }
0x12b: {  	v43 =	vor.u32 v42, v63;
	_ =	sdelay $0x3  }
0x12c: {  	[tilespmem:v62+s24+$0x0] =	vst.idx.msk $0xffff, v40  }
0x12d: {  	v46 =	vor.u32 v11, v39;
	v45 =	vor.u32 v21, v38;
	v40 =	vld.idx.msk [tilespmem:v43+s23+$0x0], $0xffff  }
0x12e: {  	v43 =	vor.u32 v42, v46;
	_ =	sdelay $0x3  }
0x12f: {  	[tilespmem:v45+s24+$0x0] =	vst.idx.msk $0xffff, v40  }
0x130: {  	v48 =	vor.u32 v10, v39;
	v47 =	vor.u32 v26, v38;
	v40 =	vld.idx.msk [tilespmem:v43+s23+$0x0], $0xffff  }
0x131: {  	v43 =	vor.u32 v42, v48;
	_ =	sdelay $0x3  }
0x132: {  	[tilespmem:v47+s24+$0x0] =	vst.idx.msk $0xffff, v40  }
0x133: {  	v50 =	vor.u32 v9, v39;
	v49 =	vor.u32 v27, v38;
	v40 =	vld.idx.msk [tilespmem:v43+s23+$0x0], $0xffff  }
0x134: {  	v43 =	vor.u32 v42, v50;
	_ =	sdelay $0x3  }
0x135: {  	[tilespmem:v49+s24+$0x0] =	vst.idx.msk $0xffff, v40  }
0x136: {  	v51 =	vor.u32 v28, v38;
	v52 =	vor.u32 v8, v39;
	v40 =	vld.idx.msk [tilespmem:v43+s23+$0x0], $0xffff  }
0x137: {  	v43 =	vor.u32 v42, v52;
	_ =	sdelay $0x3  }
0x138: {  	[tilespmem:v51+s24+$0x0] =	vst.idx.msk $0xffff, v40  }
0x139: {  	v53 =	vor.u32 v29, v38;
	v54 =	vor.u32 v7, v39;
	v40 =	vld.idx.msk [tilespmem:v43+s23+$0x0], $0xffff  }
0x13a: {  	v43 =	vor.u32 v42, v54;
	_ =	sdelay $0x3  }
0x13b: {  	[tilespmem:v53+s24+$0x0] =	vst.idx.msk $0xffff, v40  }
0x13c: {  	v55 =	vor.u32 v31, v38;
	v56 =	vor.u32 v6, v39;
	v40 =	vld.idx.msk [tilespmem:v43+s23+$0x0], $0xffff  }
0x13d: {  	v43 =	vor.u32 v42, v56;
	_ =	sdelay $0x3  }
0x13e: {  	[tilespmem:v55+s24+$0x0] =	vst.idx.msk $0xffff, v40  }
0x13f: {  	v57 =	vor.u32 v32, v38;
	v58 =	vor.u32 v5, v39;
	v40 =	vld.idx.msk [tilespmem:v43+s23+$0x0], $0xffff  }
0x140: {  	v43 =	vor.u32 v42, v58;
	_ =	sdelay $0x3  }
0x141: {  	[tilespmem:v57+s24+$0x0] =	vst.idx.msk $0xffff, v40  }
0x142: {  	v59 =	vor.u32 v34, v38;
	v60 =	vor.u32 v4, v39;
	v40 =	vld.idx.msk [tilespmem:v43+s23+$0x0], $0xffff  }
0x143: {  	v43 =	vor.u32 v42, v60;
	_ =	sdelay $0x3  }
0x144: {  	[tilespmem:v59+s24+$0x0] =	vst.idx.msk $0xffff, v40  }
0x145: {  	v61 =	vor.u32 v35, v38;
	v62 =	vor.u32 v3, v39;
	v40 =	vld.idx.msk [tilespmem:v43+s23+$0x0], $0xffff  }
0x146: {  	v43 =	vor.u32 v42, v62;
	_ =	sdelay $0x3  }
0x147: {  	[tilespmem:v61+s24+$0x0] =	vst.idx.msk $0xffff, v40  }
0x148: {  	v36 =	vor.u32 v36, v38;
	v39 =	vor.u32 v2, v39;
	v40 =	vld.idx.msk [tilespmem:v43+s23+$0x0], $0xffff  }
0x149: {  	v39 =	vor.u32 v42, v39;
	_ =	sdelay $0x3  }
0x14a: {  	[tilespmem:v36+s24+$0x0] =	vst.idx.msk $0xffff, v40  }
0x14b: {  	v63 =	vor.u32 v37, v38;
	v36 =	vld.idx.msk [tilespmem:v39+s23+$0x0], $0xffff;
	_ =	sdelay $0x1  }
.Ltmp8:
0x14c: {  	_ = 	snop;
	(pc) =	sbr.rel .LBB2_9-.Ltmp8, $4  }
0x14d: {  	_ = 	snop  }
0x14e: {  	s21 =	sshll.u32 s21, $0x9  }
0x14f: {  	s22 =	sadd.s32 $0x5, s22;
	s21 =	sadd.s32 s3, s21;
	[tilespmem:v63+s24+$0x0] =	vst.idx.msk $0xffff, v36  }
0x150: {  	[hbm4b:s21+s5] =	stream.linear.scatter [tilespmem:s24], [sflag:s22], $0x1000, $0x38;
	[tilespmem:$0x8000] =	vst v63  }
.LBB2_11:
0x151: {  	_ =	sfence.sel $0x180000  }
0x152: {  	[bflag:$0x0] =	sbarrier.arrive $0xFFFF  }
0x153: {  	p0 =	sne.s32 s1, $0x0;
	_ =	strace $0x90000047  }
0x154: {  	s0 =	sadd.s32 @!p0 $0x100000, s2;
	[bflag:$0x2] =	sbarrier.arrive $0xFFFF  }
0x155: {  	[sflag:s0] =	ssyncadd.tile.s32 @!p0 $0x1;
	_ =	shalt  }
.Lfunc_end2:
_tile_overlayer_lowered:
.L_overlay_start_2:
0x156: {  	(tag) =	ssettag $0x2  }
0x157: {  	s0 =	rddreg [dreg:$0x0];
	s2 =	stileid.u32  }
0x158: {  	s1 =	rddreg [dreg:$0x1];
	p0 =	sne.s32 s2, $0x0  }
0x159: {  	s3 =	rddreg [dreg:$0x2];
	[bflag:$0x3] =	sbarrier.arrive $0xFFFF;
	s2 =	simm.s32 @!p0 $0x1C09  }
0x15a: {  	[timem:s3], [sflag:s2] =	dma.local @!p0 [hbm:s0], s1  }
0x15b: {  	s0 =	simm.s32 @!p0 $0x9  }
0x15c: {  	_ =	swait.ge @!p0 [sflag:s0], s1  }
0x15d: {  	s1 =	ssub.s32 @!p0 $0x0, s1;
	[sflag:s0] =	ssyncset.done @!p0 $0x0  }
0x15e: {  	[sflag:s0] =	ssyncadd.s32 @!p0 s1  }
0x15f: {  	[bflag:$0x3] =	sbarrier.arrive $0xFFFF  }
0x160: {  	_ =	shalt  }

</sc_bundles>
